<compile_context>
chip_gen: v7x
topology: tpu7x:2x2x1
jax: 0.10.2.dev20260603
libtpu: 0.0.44.dev20260713+nightly
codegen_flags: <defaults>
</compile_context>

<pallas_src>
import dataclasses
import functools
import math

import jax
import jax.numpy as jnp
from jax import lax
from jax.experimental import pallas as pl
from jax.experimental.pallas import tpu as pltpu
from jax.experimental.pallas import tpu_sc as plsc

N = 10000
E = 320000
IN = 128
HID = 128
OUT = 128
EF = 4

NC = 2
NS = 16
NW = NC * NS
EPW = E // NW
GC = 80
NCHUNK = EPW // GC
GV = GC // 16
NP = 10240
SC_ROWS_PER_SUB = NP // NS

TW = 256
TWP = 128
SCC = 80

RB = 400
RB2 = 512
BE = 640


def _silu(x):
    return x * jax.nn.sigmoid(x)


def _tables_body(nf, wcat, be1, stab, dtab):
    m = jnp.dot(nf[...], wcat[...], preferred_element_type=jnp.float32)
    a = m[:, :HID] + be1[...]
    b = m[:, HID:2 * HID]
    k = m[:, 2 * HID:3 * HID]
    q = m[:, 3 * HID:]
    def pack(lo, hi):
        lou = lax.bitcast_convert_type(
            lo.astype(jnp.bfloat16).astype(jnp.float32), jnp.uint32)
        hiu = lax.bitcast_convert_type(
            hi.astype(jnp.bfloat16).astype(jnp.float32), jnp.uint32)
        return lax.bitcast_convert_type(
            (lou >> 16) | (hiu & jnp.uint32(0xFFFF0000)), jnp.int32)

    stab[...] = pack(a, k)
    dtab[...] = pack(b, q)


def _make_tables(nf, wcat, be1):
    grid = (N // RB,)
    return pl.pallas_call(
        _tables_body,
        grid=grid,
        in_specs=[
            pl.BlockSpec((RB, IN), lambda i: (i, 0)),
            pl.BlockSpec((IN, 4 * HID), lambda i: (0, 0)),
            pl.BlockSpec((1, HID), lambda i: (0, 0)),
        ],
        out_specs=[
            pl.BlockSpec((RB, TWP), lambda i: (i, 0)),
            pl.BlockSpec((RB, TWP), lambda i: (i, 0)),
        ],
        out_shape=[
            jax.ShapeDtypeStruct((N, TWP), jnp.int32),
            jax.ShapeDtypeStruct((N, TWP), jnp.int32),
        ],
    )(nf, wcat, be1)


def _gather_kernel(stab, dtab, src, dst, cx, cy, cz,
                   gs, gd, x8,
                   idxs, idxd, rs, rd, xb, cxb, cyb, czb, s0, s1):
    wid = lax.axis_index("s") * NC + lax.axis_index("c")
    pltpu.sync_copy(cx, cxb)
    pltpu.sync_copy(cy, cyb)
    pltpu.sync_copy(cz, czb)

    @pl.loop(0, NCHUNK)
    def _(k):
        base = wid * EPW + k * GC
        pltpu.sync_copy(src.at[pl.ds(base, GC)], idxs)
        pltpu.sync_copy(dst.at[pl.ds(base, GC)], idxd)
        c0 = pltpu.async_copy(stab.at[idxs], rs, s0)
        c1 = pltpu.async_copy(dtab.at[idxd], rd, s1)

        @pl.loop(0, GC // 16)
        def _(j):
            pos = lax.iota(jnp.int32, 16) + j * 16
            zero16 = jnp.zeros((16,), jnp.int32)
            si = plsc.load_gather(idxs, [pos])
            di = plsc.load_gather(idxd, [pos])
            dx = plsc.load_gather(cxb, [si]) - plsc.load_gather(cxb, [di])
            dy = plsc.load_gather(cyb, [si]) - plsc.load_gather(cyb, [di])
            dz = plsc.load_gather(czb, [si]) - plsc.load_gather(czb, [di])
            d2 = dx * dx + dy * dy + dz * dz
            plsc.store_scatter(xb, [pos, zero16], d2)

        c0.wait()
        c1.wait()
        pltpu.sync_copy(rs, gs.at[pl.ds(base, GC)])
        pltpu.sync_copy(rd, gd.at[pl.ds(base, GC)])
        pltpu.sync_copy(xb, x8.at[pl.ds(base, GC)])


def _gather(stab, dtab, src, dst, cx, cy, cz):
    mesh = plsc.VectorSubcoreMesh(core_axis_name="c", subcore_axis_name="s")
    kern = pl.kernel(
        _gather_kernel,
        mesh=mesh,
        compiler_params=_sc_params(),
        out_type=[
            jax.ShapeDtypeStruct((E, TWP), jnp.int32),
            jax.ShapeDtypeStruct((E, TWP), jnp.int32),
            jax.ShapeDtypeStruct((E, 8), jnp.float32),
        ],
        scratch_types=[
            pltpu.VMEM((GC,), jnp.int32),
            pltpu.VMEM((GC,), jnp.int32),
            pltpu.VMEM((GC, TWP), jnp.int32),
            pltpu.VMEM((GC, TWP), jnp.int32),
            pltpu.VMEM((GC, 8), jnp.float32),
            pltpu.VMEM((NP,), jnp.float32),
            pltpu.VMEM((NP,), jnp.float32),
            pltpu.VMEM((NP,), jnp.float32),
            pltpu.SemaphoreType.DMA,
            pltpu.SemaphoreType.DMA,
        ],
    )
    return kern(stab, dtab, src, dst, cx, cy, cz)


def _dense_body(gs, gd, x8, ef8, we2, be2, wed, wef8, wkd, wkef8, y, w8):
    gu = lax.bitcast_convert_type(gs[...], jnp.uint32)
    du = lax.bitcast_convert_type(gd[...], jnp.uint32)
    a = lax.bitcast_convert_type(gu << 16, jnp.float32)
    ks = lax.bitcast_convert_type(gu & jnp.uint32(0xFFFF0000), jnp.float32)
    bd = lax.bitcast_convert_type(du << 16, jnp.float32)
    qd = lax.bitcast_convert_type(du & jnp.uint32(0xFFFF0000), jnp.float32)
    dist = jnp.sqrt(x8[:, 0:1])
    efm = jnp.dot(ef8[...], wef8[...], preferred_element_type=jnp.float32)
    t1 = a + bd + dist * wed[...] + efm
    u = _silu(t1)
    mh = _silu(jnp.dot(u, we2[...], preferred_element_type=jnp.float32)
               + be2[...])
    mk = ks + dist * wkd[...] + jnp.dot(
        ef8[...], wkef8[...], preferred_element_type=jnp.float32)
    e = jnp.sum(mk * qd, axis=1, keepdims=True) * (1.0 / math.sqrt(HID))
    w = jnp.exp(e)
    y[...] = mh * w
    zp = jnp.zeros((gs.shape[0], 7), jnp.float32)
    w8[...] = jnp.concatenate([w, zp], axis=1)


def _dense(gs, gd, x8, ef8, we2, be2, wed, wef8, wkd, wkef8):
    grid = (E // BE,)
    return pl.pallas_call(
        _dense_body,
        grid=grid,
        in_specs=[
            pl.BlockSpec((BE, TWP), lambda i: (i, 0)),
            pl.BlockSpec((BE, TWP), lambda i: (i, 0)),
            pl.BlockSpec((BE, 8), lambda i: (i, 0)),
            pl.BlockSpec((BE, 8), lambda i: (i, 0)),
            pl.BlockSpec((HID, HID), lambda i: (0, 0)),
            pl.BlockSpec((1, HID), lambda i: (0, 0)),
            pl.BlockSpec((1, HID), lambda i: (0, 0)),
            pl.BlockSpec((8, HID), lambda i: (0, 0)),
            pl.BlockSpec((1, HID), lambda i: (0, 0)),
            pl.BlockSpec((8, HID), lambda i: (0, 0)),
        ],
        out_specs=[
            pl.BlockSpec((BE, HID), lambda i: (i, 0)),
            pl.BlockSpec((BE, 8), lambda i: (i, 0)),
        ],
        out_shape=[
            jax.ShapeDtypeStruct((E, HID), jnp.float32),
            jax.ShapeDtypeStruct((E, 8), jnp.float32),
        ],
    )(gs, gd, x8, ef8, we2, be2, wed, wef8, wkd, wkef8)


def _scatter_kernel(y, w8, dst, znb, zn1, out, dout, acc, ybuf, wbuf, idxb,
                    denb):
    cid = lax.axis_index("c")
    sid = lax.axis_index("s")
    row0 = sid * SC_ROWS_PER_SUB
    pltpu.sync_copy(znb.at[pl.ds(row0, SC_ROWS_PER_SUB)],
                    acc.at[pl.ds(row0, SC_ROWS_PER_SUB)])
    pltpu.sync_copy(zn1, denb)
    plsc.subcore_barrier()
    half = E // NC
    per_sub = half // NS
    nchunk = per_sub // SCC
    base0 = cid * half + sid * per_sub

    @pl.loop(0, nchunk)
    def _(k):
        base = base0 + k * SCC
        pltpu.sync_copy(dst.at[pl.ds(base, SCC)], idxb)
        pltpu.sync_copy(y.at[pl.ds(base, SCC)], ybuf)
        pltpu.sync_copy(w8.at[pl.ds(base, SCC)], wbuf)
        pltpu.sync_copy(ybuf, acc.at[idxb], add=True)

        @pl.loop(0, SCC // 16)
        def _(j):
            pos = lax.iota(jnp.int32, 16) + j * 16
            zero16 = jnp.zeros((16,), jnp.int32)
            dv = plsc.load_gather(idxb, [pos])
            wv = plsc.load_gather(wbuf, [pos, zero16])
            plsc.addupdate_scatter(denb, [dv], wv)

    plsc.subcore_barrier()
    pltpu.sync_copy(acc.at[pl.ds(row0, SC_ROWS_PER_SUB)],
                    out.at[cid, pl.ds(row0, SC_ROWS_PER_SUB)])
    pltpu.sync_copy(denb, dout.at[pl.ds((cid * NS + sid) * NP, NP)])


def _sc_params():
    cp = pltpu.CompilerParams()
    if "needs_layout_passes" in pltpu.CompilerParams.__dataclass_fields__:
        cp = dataclasses.replace(cp, needs_layout_passes=False)
    return cp


def _scatter(y, w8, dst, znb, zn1):
    mesh = plsc.VectorSubcoreMesh(core_axis_name="c", subcore_axis_name="s")
    kern = pl.kernel(
        _scatter_kernel,
        mesh=mesh,
        compiler_params=_sc_params(),
        out_type=[
            jax.ShapeDtypeStruct((NC, NP, HID), jnp.float32),
            jax.ShapeDtypeStruct((NC * NS * NP,), jnp.float32),
        ],
        scratch_types=[
            pltpu.VMEM_SHARED((NP, HID), jnp.float32),
            pltpu.VMEM((SCC, HID), jnp.float32),
            pltpu.VMEM((SCC, 8), jnp.float32),
            pltpu.VMEM((SCC,), jnp.int32),
            pltpu.VMEM((NP,), jnp.float32),
        ],
    )
    return kern(y, w8, dst, znb, zn1)


def _final_body(nf, p0, p1, d32, wn1a, wn1b, bn1, wn2, bn2, h):
    num = p0[0] + p1[0]
    den = jnp.sum(d32[...], axis=0)[:, None]
    den = jnp.where(den == 0.0, 1.0, den)
    hn = num / den
    pre = (jnp.dot(nf[...], wn1a[...], preferred_element_type=jnp.float32)
           + jnp.dot(hn, wn1b[...], preferred_element_type=jnp.float32)
           + bn1[...])
    h[...] = (jnp.dot(_silu(pre), wn2[...],
                      preferred_element_type=jnp.float32) + bn2[...])


def _final(nfp, parts, d32, wn1a, wn1b, bn1, wn2, bn2):
    grid = (NP // RB2,)
    return pl.pallas_call(
        _final_body,
        grid=grid,
        in_specs=[
            pl.BlockSpec((RB2, IN), lambda i: (i, 0)),
            pl.BlockSpec((1, RB2, HID), lambda i: (0, i, 0)),
            pl.BlockSpec((1, RB2, HID), lambda i: (1, i, 0)),
            pl.BlockSpec((NW, RB2), lambda i: (0, i)),
            pl.BlockSpec((IN, HID), lambda i: (0, 0)),
            pl.BlockSpec((HID, HID), lambda i: (0, 0)),
            pl.BlockSpec((1, HID), lambda i: (0, 0)),
            pl.BlockSpec((HID, OUT), lambda i: (0, 0)),
            pl.BlockSpec((1, OUT), lambda i: (0, 0)),
        ],
        out_specs=pl.BlockSpec((RB2, OUT), lambda i: (i, 0)),
        out_shape=jax.ShapeDtypeStruct((NP, OUT), jnp.float32),
    )(nfp, parts, parts, d32, wn1a, wn1b, bn1, wn2, bn2)


@jax.jit
def kernel(node_feat, coord_feat, edge_index, edge_feat,
           W_e1, b_e1, W_e2, b_e2, W_q, W_k, W_n1, b_n1, W_n2, b_n2):
    src = edge_index[0]
    dst = edge_index[1]
    wcat = jnp.concatenate(
        [W_e1[:IN], W_e1[IN:2 * IN], W_k[:IN], W_q], axis=1)
    wed = W_e1[2 * IN:2 * IN + 1]
    wef8 = jnp.pad(W_e1[2 * IN + 1:], ((0, 4), (0, 0)))
    wkd = W_k[IN:IN + 1]
    wkef8 = jnp.pad(W_k[IN + 1:], ((0, 4), (0, 0)))
    cpad = jnp.pad(coord_feat, ((0, NP - N), (0, 0)))
    ef8 = jnp.pad(edge_feat, ((0, 0), (0, 4)))
    be1 = b_e1.reshape(1, HID)
    be2 = b_e2.reshape(1, HID)
    bn1 = b_n1.reshape(1, HID)
    bn2 = b_n2.reshape(1, OUT)
    znb = jnp.zeros((NP, HID), jnp.float32)
    zn1 = jnp.zeros((NP,), jnp.float32)

    stab, dtab = _make_tables(node_feat, wcat, be1)
    gs, gd, x8 = _gather(stab, dtab, src, dst,
                         cpad[:, 0], cpad[:, 1], cpad[:, 2])
    y, w8 = _dense(gs, gd, x8, ef8, W_e2, be2, wed, wef8, wkd, wkef8)
    parts, dflat = _scatter(y, w8, dst, znb, zn1)
    d32 = dflat.reshape(NW, NP)
    nfp = jnp.pad(node_feat, ((0, NP - N), (0, 0)))
    h = _final(nfp, parts, d32, W_n1[:IN], W_n1[IN:], bn1, W_n2, bn2)
    return h[:N]

# --- scband reference (transcript-rebuilt; emitter-appended) ---
"""Pipeline reference for scband-attention-egnnconv-42511586296499 (READ-ONLY COPY).

The authoritative reference and input builder live on the scoring server;
editing this copy changes nothing except your own understanding.
"""

import jax, jax.numpy as jnp
import numpy as np
import math

N, E = 10000, 320000
IN, HID, OUT, EF = 128, 128, 128, 4

def silu(x):
    return x * jax.nn.sigmoid(x)

def setup_inputs(seed: int = 0):
    key = jax.random.key(seed)
    ks = jax.random.split(key, 16)
    node_feat = jax.random.normal(ks[0], (N, IN), jnp.float32)
    coord_feat = jax.random.normal(ks[1], (N, 3), jnp.float32)
    edge_index = jax.random.randint(ks[2], (2, E), 0, N, dtype=jnp.int32)
    edge_feat = jax.random.normal(ks[3], (E, EF), jnp.float32)
    d_e1 = 2 * IN + EF + 1
    d_k = IN + EF + 1
    d_n1 = IN + HID
    W_e1 = jax.random.normal(ks[4], (d_e1, HID), jnp.float32) / math.sqrt(d_e1)
    b_e1 = jnp.zeros((HID,), jnp.float32)
    W_e2 = jax.random.normal(ks[5], (HID, HID), jnp.float32) / math.sqrt(HID)
    b_e2 = jnp.zeros((HID,), jnp.float32)
    W_q = jax.random.normal(ks[6], (IN, HID), jnp.float32) / math.sqrt(IN)
    W_k = jax.random.normal(ks[7], (d_k, HID), jnp.float32) / math.sqrt(d_k)
    W_n1 = jax.random.normal(ks[8], (d_n1, HID), jnp.float32) / math.sqrt(d_n1)
    b_n1 = jnp.zeros((HID,), jnp.float32)
    W_n2 = jax.random.normal(ks[9], (HID, OUT), jnp.float32) / math.sqrt(HID)
    b_n2 = jnp.zeros((OUT,), jnp.float32)
    return {"node_feat": node_feat, "coord_feat": coord_feat, "edge_index": edge_index, "edge_feat": edge_feat, "W_e1": W_e1, "b_e1": b_e1, "W_e2": W_e2, "b_e2": b_e2, "W_q": W_q, "W_k": W_k, "W_n1": W_n1, "b_n1": b_n1, "W_n2": W_n2, "b_n2": b_n2}

def reference(node_feat, coord_feat, edge_index, edge_feat, W_e1, b_e1, W_e2, b_e2, W_q, W_k, W_n1, b_n1, W_n2, b_n2):
    src = edge_index[0]
    dst = edge_index[1]
    n = node_feat.shape[0]
    x_diff = coord_feat[src] - coord_feat[dst]
    dist = jnp.sqrt(jnp.sum(jnp.square(x_diff), axis=1, keepdims=True))
    h_src = node_feat[src]
    h_dst = node_feat[dst]
    f = jnp.concatenate([h_src, h_dst, dist, edge_feat], axis=-1)
    k_raw = jnp.concatenate([h_src, dist, edge_feat], axis=-1)
    msg_h = silu(silu(f @ W_e1 + b_e1) @ W_e2 + b_e2)
    msg_k = k_raw @ W_k
    msg_q = h_dst @ W_q
    e = jnp.sum(msg_k * msg_q, axis=-1) / math.sqrt(HID)
    e_max = jax.ops.segment_max(e, dst, num_segments=n)
    e_exp = jnp.exp(e - e_max[dst])
    denom = jax.ops.segment_sum(e_exp, dst, num_segments=n)
    att = e_exp / denom[dst]
    msg_f = msg_h * att[:, None]
    h_neigh = jax.ops.segment_sum(msg_f, dst, num_segments=n)
    h = silu(jnp.concatenate([node_feat, h_neigh], axis=-1) @ W_n1 + b_n1) @ W_n2 + b_n2
    return h

if __name__ == "__main__":
    import jax
    _d = setup_inputs()
    print(jax.jit(kernel)(*tuple(_d.values())))

</pallas_src>

<mosaic_0001>
#map = affine_map<(d0, d1) -> (0, 0)>
#map1 = affine_map<(d0, d1) -> (0)>
module attributes {stable_mosaic.version = 14 : i64} {
  func.func @_gather_kernel(%arg0: i32, %arg1: i32, %arg2: memref<10000x128xi32, #tpu.memory_space<hbm>>, %arg3: memref<10000x128xi32, #tpu.memory_space<hbm>>, %arg4: memref<320000xi32, #tpu.memory_space<hbm>>, %arg5: memref<320000xi32, #tpu.memory_space<hbm>>, %arg6: memref<10240xf32, #tpu.memory_space<hbm>>, %arg7: memref<10240xf32, #tpu.memory_space<hbm>>, %arg8: memref<10240xf32, #tpu.memory_space<hbm>>, %arg9: memref<320000x128xi32, #tpu.memory_space<hbm>>, %arg10: memref<320000x128xi32, #tpu.memory_space<hbm>>, %arg11: memref<320000x8xf32, #tpu.memory_space<hbm>>, %arg12: memref<80xi32, #tpu.memory_space<vmem>>, %arg13: memref<80xi32, #tpu.memory_space<vmem>>, %arg14: memref<80x128xi32, #tpu.memory_space<vmem>>, %arg15: memref<80x128xi32, #tpu.memory_space<vmem>>, %arg16: memref<80x8xf32, #tpu.memory_space<vmem>>, %arg17: memref<10240xf32, #tpu.memory_space<vmem>>, %arg18: memref<10240xf32, #tpu.memory_space<vmem>>, %arg19: memref<10240xf32, #tpu.memory_space<vmem>>, %arg20: memref<!tpu.dma_semaphore, #tpu.memory_space<semaphore_mem>>, %arg21: memref<!tpu.dma_semaphore, #tpu.memory_space<semaphore_mem>>) attributes {dimension_semantics = [#tpu.dimension_semantics<core_parallel>, #tpu.dimension_semantics<subcore_parallel>], iteration_bounds = array<i64: 2, 16>, scalar_prefetch = 0 : i64, scratch_operands = 10 : i64, tpu.core_type = #tpu.core_type<sc_vector_subcore>, window_params = [{transform_indices = #map}, {transform_indices = #map}, {transform_indices = #map1}, {transform_indices = #map1}, {transform_indices = #map1}, {transform_indices = #map1}, {transform_indices = #map1}, {transform_indices = #map}, {transform_indices = #map}, {transform_indices = #map}]} {
    %mul3A = arith.constant 2 : i32
    %mul3A_0 = arith.muli %arg1, %mul3A : i32
    %add3A = arith.addi %mul3A_0, %arg0 : i32
    "tpu.region"() ({
      %run_scoped3A = tpu.sem_alloc : memref<!tpu.dma_semaphore, #tpu.memory_space<semaphore_mem>>
      tpu.enqueue_dma source(%arg6 : memref<10240xf32, #tpu.memory_space<hbm>>) target(%arg17 : memref<10240xf32, #tpu.memory_space<vmem>>) target_semaphore(%run_scoped3A : memref<!tpu.dma_semaphore, #tpu.memory_space<semaphore_mem>>)
      tpu.wait_dma2 semaphore(%run_scoped3A : memref<!tpu.dma_semaphore, #tpu.memory_space<semaphore_mem>>) src(%arg6 : memref<10240xf32, #tpu.memory_space<hbm>>) dst(%arg17 : memref<10240xf32, #tpu.memory_space<vmem>>)
      tpu.yield
    }) : () -> ()
    "tpu.region"() ({
      %run_scoped3A = tpu.sem_alloc : memref<!tpu.dma_semaphore, #tpu.memory_space<semaphore_mem>>
      tpu.enqueue_dma source(%arg7 : memref<10240xf32, #tpu.memory_space<hbm>>) target(%arg18 : memref<10240xf32, #tpu.memory_space<vmem>>) target_semaphore(%run_scoped3A : memref<!tpu.dma_semaphore, #tpu.memory_space<semaphore_mem>>)
      tpu.wait_dma2 semaphore(%run_scoped3A : memref<!tpu.dma_semaphore, #tpu.memory_space<semaphore_mem>>) src(%arg7 : memref<10240xf32, #tpu.memory_space<hbm>>) dst(%arg18 : memref<10240xf32, #tpu.memory_space<vmem>>)
      tpu.yield
    }) : () -> ()
    "tpu.region"() ({
      %run_scoped3A = tpu.sem_alloc : memref<!tpu.dma_semaphore, #tpu.memory_space<semaphore_mem>>
      tpu.enqueue_dma source(%arg8 : memref<10240xf32, #tpu.memory_space<hbm>>) target(%arg19 : memref<10240xf32, #tpu.memory_space<vmem>>) target_semaphore(%run_scoped3A : memref<!tpu.dma_semaphore, #tpu.memory_space<semaphore_mem>>)
      tpu.wait_dma2 semaphore(%run_scoped3A : memref<!tpu.dma_semaphore, #tpu.memory_space<semaphore_mem>>) src(%arg8 : memref<10240xf32, #tpu.memory_space<hbm>>) dst(%arg19 : memref<10240xf32, #tpu.memory_space<vmem>>)
      tpu.yield
    }) : () -> ()
    %scan3A = arith.constant 0 : i32
    %scan3A_1 = arith.constant 125 : i32
    %scan3A_2 = arith.addi %scan3A, %scan3A_1 : i32
    %scan3A_3 = arith.constant 1 : i32
    scf.for %scan3A_5 = %scan3A to %scan3A_2 step %scan3A_3  : i32 {
      %mul3A_6 = arith.constant 1 : i32
      %mul3A_7 = arith.muli %scan3A_5, %mul3A_6 : i32
      %add3A_8 = arith.constant 0 : i32
      %add3A_9 = arith.addi %add3A_8, %mul3A_7 : i32
      %mul3A_10 = arith.constant 10000 : i32
      %mul3A_11 = arith.muli %add3A, %mul3A_10 : i32
      %mul3A_12 = arith.constant 80 : i32
      %mul3A_13 = arith.muli %add3A_9, %mul3A_12 : i32
      %add3A_14 = arith.addi %mul3A_11, %mul3A_13 : i32
      "tpu.region"() ({
        %run_scoped3A = tpu.sem_alloc : memref<!tpu.dma_semaphore, #tpu.memory_space<semaphore_mem>>
        %dma_start3A_30 = tpu.memref_slice %arg4[%add3A_14] : memref<320000xi32, #tpu.memory_space<hbm>> -> memref<80xi32, #tpu.memory_space<hbm>>
        %dma_start3A_31 = tpu.memref_slice %arg4[%add3A_14] : memref<320000xi32, #tpu.memory_space<hbm>> -> memref<80xi32, #tpu.memory_space<hbm>>
        tpu.enqueue_dma source(%dma_start3A_31 : memref<80xi32, #tpu.memory_space<hbm>>) target(%arg12 : memref<80xi32, #tpu.memory_space<vmem>>) target_semaphore(%run_scoped3A : memref<!tpu.dma_semaphore, #tpu.memory_space<semaphore_mem>>)
        %dma_wait3A_32 = tpu.memref_slice %arg4[%add3A_14] : memref<320000xi32, #tpu.memory_space<hbm>> -> memref<80xi32, #tpu.memory_space<hbm>>
        %dma_wait3A_33 = tpu.memref_slice %arg4[%add3A_14] : memref<320000xi32, #tpu.memory_space<hbm>> -> memref<80xi32, #tpu.memory_space<hbm>>
        tpu.wait_dma2 semaphore(%run_scoped3A : memref<!tpu.dma_semaphore, #tpu.memory_space<semaphore_mem>>) src(%dma_wait3A_33 : memref<80xi32, #tpu.memory_space<hbm>>) dst(%arg12 : memref<80xi32, #tpu.memory_space<vmem>>)
        tpu.yield
      }) : () -> ()
      "tpu.region"() ({
        %run_scoped3A = tpu.sem_alloc : memref<!tpu.dma_semaphore, #tpu.memory_space<semaphore_mem>>
        %dma_start3A_30 = tpu.memref_slice %arg5[%add3A_14] : memref<320000xi32, #tpu.memory_space<hbm>> -> memref<80xi32, #tpu.memory_space<hbm>>
        %dma_start3A_31 = tpu.memref_slice %arg5[%add3A_14] : memref<320000xi32, #tpu.memory_space<hbm>> -> memref<80xi32, #tpu.memory_space<hbm>>
        tpu.enqueue_dma source(%dma_start3A_31 : memref<80xi32, #tpu.memory_space<hbm>>) target(%arg13 : memref<80xi32, #tpu.memory_space<vmem>>) target_semaphore(%run_scoped3A : memref<!tpu.dma_semaphore, #tpu.memory_space<semaphore_mem>>)
        %dma_wait3A_32 = tpu.memref_slice %arg5[%add3A_14] : memref<320000xi32, #tpu.memory_space<hbm>> -> memref<80xi32, #tpu.memory_space<hbm>>
        %dma_wait3A_33 = tpu.memref_slice %arg5[%add3A_14] : memref<320000xi32, #tpu.memory_space<hbm>> -> memref<80xi32, #tpu.memory_space<hbm>>
        tpu.wait_dma2 semaphore(%run_scoped3A : memref<!tpu.dma_semaphore, #tpu.memory_space<semaphore_mem>>) src(%dma_wait3A_33 : memref<80xi32, #tpu.memory_space<hbm>>) dst(%arg13 : memref<80xi32, #tpu.memory_space<vmem>>)
        tpu.yield
      }) : () -> ()
      %dma_start3A = arith.constant 0 : i32
      %dma_start3A_15 = arith.constant 0 : i32
      %dma_start3A_16 = tpu.memref_slice %arg2[%dma_start3A, %dma_start3A_15] : memref<10000x128xi32, #tpu.memory_space<hbm>> -> memref<10000x128xi32, #tpu.memory_space<hbm>>
      tpu.enqueue_indirect_dma source(%dma_start3A_16 : memref<10000x128xi32, #tpu.memory_space<hbm>>) target(%arg14 : memref<80x128xi32, #tpu.memory_space<vmem>>) offsets(%arg12 : memref<80xi32, #tpu.memory_space<vmem>>) semaphore(%arg20 : memref<!tpu.dma_semaphore, #tpu.memory_space<semaphore_mem>>)
      %dma_start3A_17 = arith.constant 0 : i32
      %dma_start3A_18 = arith.constant 0 : i32
      %dma_start3A_19 = tpu.memref_slice %arg3[%dma_start3A_17, %dma_start3A_18] : memref<10000x128xi32, #tpu.memory_space<hbm>> -> memref<10000x128xi32, #tpu.memory_space<hbm>>
      tpu.enqueue_indirect_dma source(%dma_start3A_19 : memref<10000x128xi32, #tpu.memory_space<hbm>>) target(%arg15 : memref<80x128xi32, #tpu.memory_space<vmem>>) offsets(%arg13 : memref<80xi32, #tpu.memory_space<vmem>>) semaphore(%arg21 : memref<!tpu.dma_semaphore, #tpu.memory_space<semaphore_mem>>)
      %scan3A_20 = arith.constant 0 : i32
      %scan3A_21 = arith.constant 5 : i32
      %scan3A_22 = arith.addi %scan3A_20, %scan3A_21 : i32
      %scan3A_23 = arith.constant 1 : i32
      scf.for %scan3A_30 = %scan3A_20 to %scan3A_22 step %scan3A_23  : i32 {
        %mul3A_31 = arith.constant 1 : i32
        %mul3A_32 = arith.muli %scan3A_30, %mul3A_31 : i32
        %add3A_33 = arith.constant 0 : i32
        %add3A_34 = arith.addi %add3A_33, %mul3A_32 : i32
        %iota3A = tpu.iota {dimensions = array<i32: 0>} : vector<16xi32>
        %mul3A_35 = arith.constant 16 : i32
        %mul3A_36 = arith.muli %add3A_34, %mul3A_35 : i32
        %add3A_37 = vector.broadcast %mul3A_36 : i32 to vector<16xi32>
        %add3A_38 = arith.addi %iota3A, %add3A_37 : vector<16xi32>
        %broadcast_in_dim3A = arith.constant 0 : i32
        %broadcast_in_dim3A_39 = vector.broadcast %broadcast_in_dim3A : i32 to vector<16xi32>
        %gather3A = tpu.vector_load_idx %arg12[%add3A_38] : memref<80xi32, #tpu.memory_space<vmem>>[vector<16xi32>], vector<16xi32>,
        %gather3A_40 = tpu.vector_load_idx %arg13[%add3A_38] : memref<80xi32, #tpu.memory_space<vmem>>[vector<16xi32>], vector<16xi32>,
        %gather3A_41 = tpu.vector_load_idx %arg17[%gather3A] : memref<10240xf32, #tpu.memory_space<vmem>>[vector<16xi32>], vector<16xf32>,
        %gather3A_42 = tpu.vector_load_idx %arg17[%gather3A_40] : memref<10240xf32, #tpu.memory_space<vmem>>[vector<16xi32>], vector<16xf32>,
        %sub3A = arith.subf %gather3A_41, %gather3A_42 : vector<16xf32>
        %gather3A_43 = tpu.vector_load_idx %arg18[%gather3A] : memref<10240xf32, #tpu.memory_space<vmem>>[vector<16xi32>], vector<16xf32>,
        %gather3A_44 = tpu.vector_load_idx %arg18[%gather3A_40] : memref<10240xf32, #tpu.memory_space<vmem>>[vector<16xi32>], vector<16xf32>,
        %sub3A_45 = arith.subf %gather3A_43, %gather3A_44 : vector<16xf32>
        %gather3A_46 = tpu.vector_load_idx %arg19[%gather3A] : memref<10240xf32, #tpu.memory_space<vmem>>[vector<16xi32>], vector<16xf32>,
        %gather3A_47 = tpu.vector_load_idx %arg19[%gather3A_40] : memref<10240xf32, #tpu.memory_space<vmem>>[vector<16xi32>], vector<16xf32>,
        %sub3A_48 = arith.subf %gather3A_46, %gather3A_47 : vector<16xf32>
        %mul3A_49 = arith.mulf %sub3A, %sub3A : vector<16xf32>
        %mul3A_50 = arith.mulf %sub3A_45, %sub3A_45 : vector<16xf32>
        %add3A_51 = arith.addf %mul3A_49, %mul3A_50 : vector<16xf32>
        %mul3A_52 = arith.mulf %sub3A_48, %sub3A_48 : vector<16xf32>
        %add3A_53 = arith.addf %add3A_51, %mul3A_52 : vector<16xf32>
        tpu.vector_store_idx %arg16[%add3A_38, %broadcast_in_dim3A_39], %add3A_53 : memref<80x8xf32, #tpu.memory_space<vmem>>[vector<16xi32>, vector<16xi32>], vector<16xf32>,
      }
      %scan3A_24 = arith.constant 5 : i32
      %dma_wait3A = arith.constant 0 : i32
      %dma_wait3A_25 = arith.constant 0 : i32
      %dma_wait3A_26 = tpu.memref_slice %arg2[%dma_wait3A, %dma_wait3A_25] : memref<10000x128xi32, #tpu.memory_space<hbm>> -> memref<10000x128xi32, #tpu.memory_space<hbm>>
      tpu.wait_indirect_dma semaphore(%arg20 : memref<!tpu.dma_semaphore, #tpu.memory_space<semaphore_mem>>) src(%dma_wait3A_26 : memref<10000x128xi32, #tpu.memory_space<hbm>>) dst(%arg14 : memref<80x128xi32, #tpu.memory_space<vmem>>)
      %dma_wait3A_27 = arith.constant 0 : i32
      %dma_wait3A_28 = arith.constant 0 : i32
      %dma_wait3A_29 = tpu.memref_slice %arg3[%dma_wait3A_27, %dma_wait3A_28] : memref<10000x128xi32, #tpu.memory_space<hbm>> -> memref<10000x128xi32, #tpu.memory_space<hbm>>
      tpu.wait_indirect_dma semaphore(%arg21 : memref<!tpu.dma_semaphore, #tpu.memory_space<semaphore_mem>>) src(%dma_wait3A_29 : memref<10000x128xi32, #tpu.memory_space<hbm>>) dst(%arg15 : memref<80x128xi32, #tpu.memory_space<vmem>>)
      "tpu.region"() ({
        %run_scoped3A = tpu.sem_alloc : memref<!tpu.dma_semaphore, #tpu.memory_space<semaphore_mem>>
        %dma_start3A_30 = arith.constant 0 : i32
        %dma_start3A_31 = tpu.memref_slice %arg9[%add3A_14, %dma_start3A_30] : memref<320000x128xi32, #tpu.memory_space<hbm>> -> memref<80x128xi32, #tpu.memory_space<hbm>>
        %dma_start3A_32 = arith.constant 0 : i32
        %dma_start3A_33 = tpu.memref_slice %arg9[%add3A_14, %dma_start3A_32] : memref<320000x128xi32, #tpu.memory_space<hbm>> -> memref<80x128xi32, #tpu.memory_space<hbm>>
        tpu.enqueue_dma source(%arg14 : memref<80x128xi32, #tpu.memory_space<vmem>>) target(%dma_start3A_33 : memref<80x128xi32, #tpu.memory_space<hbm>>) target_semaphore(%run_scoped3A : memref<!tpu.dma_semaphore, #tpu.memory_space<semaphore_mem>>)
        %dma_wait3A_34 = arith.constant 0 : i32
        %dma_wait3A_35 = tpu.memref_slice %arg9[%add3A_14, %dma_wait3A_34] : memref<320000x128xi32, #tpu.memory_space<hbm>> -> memref<80x128xi32, #tpu.memory_space<hbm>>
        %dma_wait3A_36 = arith.constant 0 : i32
        %dma_wait3A_37 = tpu.memref_slice %arg9[%add3A_14, %dma_wait3A_36] : memref<320000x128xi32, #tpu.memory_space<hbm>> -> memref<80x128xi32, #tpu.memory_space<hbm>>
        tpu.wait_dma2 semaphore(%run_scoped3A : memref<!tpu.dma_semaphore, #tpu.memory_space<semaphore_mem>>) src(%arg14 : memref<80x128xi32, #tpu.memory_space<vmem>>) dst(%dma_wait3A_37 : memref<80x128xi32, #tpu.memory_space<hbm>>)
        tpu.yield
      }) : () -> ()
      "tpu.region"() ({
        %run_scoped3A = tpu.sem_alloc : memref<!tpu.dma_semaphore, #tpu.memory_space<semaphore_mem>>
        %dma_start3A_30 = arith.constant 0 : i32
        %dma_start3A_31 = tpu.memref_slice %arg10[%add3A_14, %dma_start3A_30] : memref<320000x128xi32, #tpu.memory_space<hbm>> -> memref<80x128xi32, #tpu.memory_space<hbm>>
        %dma_start3A_32 = arith.constant 0 : i32
        %dma_start3A_33 = tpu.memref_slice %arg10[%add3A_14, %dma_start3A_32] : memref<320000x128xi32, #tpu.memory_space<hbm>> -> memref<80x128xi32, #tpu.memory_space<hbm>>
        tpu.enqueue_dma source(%arg15 : memref<80x128xi32, #tpu.memory_space<vmem>>) target(%dma_start3A_33 : memref<80x128xi32, #tpu.memory_space<hbm>>) target_semaphore(%run_scoped3A : memref<!tpu.dma_semaphore, #tpu.memory_space<semaphore_mem>>)
        %dma_wait3A_34 = arith.constant 0 : i32
        %dma_wait3A_35 = tpu.memref_slice %arg10[%add3A_14, %dma_wait3A_34] : memref<320000x128xi32, #tpu.memory_space<hbm>> -> memref<80x128xi32, #tpu.memory_space<hbm>>
        %dma_wait3A_36 = arith.constant 0 : i32
        %dma_wait3A_37 = tpu.memref_slice %arg10[%add3A_14, %dma_wait3A_36] : memref<320000x128xi32, #tpu.memory_space<hbm>> -> memref<80x128xi32, #tpu.memory_space<hbm>>
        tpu.wait_dma2 semaphore(%run_scoped3A : memref<!tpu.dma_semaphore, #tpu.memory_space<semaphore_mem>>) src(%arg15 : memref<80x128xi32, #tpu.memory_space<vmem>>) dst(%dma_wait3A_37 : memref<80x128xi32, #tpu.memory_space<hbm>>)
        tpu.yield
      }) : () -> ()
      "tpu.region"() ({
        %run_scoped3A = tpu.sem_alloc : memref<!tpu.dma_semaphore, #tpu.memory_space<semaphore_mem>>
        %dma_start3A_30 = arith.constant 0 : i32
        %dma_start3A_31 = tpu.memref_slice %arg11[%add3A_14, %dma_start3A_30] : memref<320000x8xf32, #tpu.memory_space<hbm>> -> memref<80x8xf32, #tpu.memory_space<hbm>>
        %dma_start3A_32 = arith.constant 0 : i32
        %dma_start3A_33 = tpu.memref_slice %arg11[%add3A_14, %dma_start3A_32] : memref<320000x8xf32, #tpu.memory_space<hbm>> -> memref<80x8xf32, #tpu.memory_space<hbm>>
        tpu.enqueue_dma source(%arg16 : memref<80x8xf32, #tpu.memory_space<vmem>>) target(%dma_start3A_33 : memref<80x8xf32, #tpu.memory_space<hbm>>) target_semaphore(%run_scoped3A : memref<!tpu.dma_semaphore, #tpu.memory_space<semaphore_mem>>)
        %dma_wait3A_34 = arith.constant 0 : i32
        %dma_wait3A_35 = tpu.memref_slice %arg11[%add3A_14, %dma_wait3A_34] : memref<320000x8xf32, #tpu.memory_space<hbm>> -> memref<80x8xf32, #tpu.memory_space<hbm>>
        %dma_wait3A_36 = arith.constant 0 : i32
        %dma_wait3A_37 = tpu.memref_slice %arg11[%add3A_14, %dma_wait3A_36] : memref<320000x8xf32, #tpu.memory_space<hbm>> -> memref<80x8xf32, #tpu.memory_space<hbm>>
        tpu.wait_dma2 semaphore(%run_scoped3A : memref<!tpu.dma_semaphore, #tpu.memory_space<semaphore_mem>>) src(%arg16 : memref<80x8xf32, #tpu.memory_space<vmem>>) dst(%dma_wait3A_37 : memref<80x8xf32, #tpu.memory_space<hbm>>)
        tpu.yield
      }) : () -> ()
    }
    %scan3A_4 = arith.constant 125 : i32
    return
  }
}

#map = affine_map<(d0, d1) -> (0, 0)>
#map1 = affine_map<(d0, d1) -> (0)>
#map2 = affine_map<(d0, d1) -> (0, 0, 0)>
module attributes {stable_mosaic.version = 14 : i64} {
  func.func @_scatter_kernel(%arg0: i32, %arg1: i32, %arg2: memref<320000x128xf32, #tpu.memory_space<hbm>>, %arg3: memref<320000x8xf32, #tpu.memory_space<hbm>>, %arg4: memref<320000xi32, #tpu.memory_space<hbm>>, %arg5: memref<10240x128xf32, #tpu.memory_space<hbm>>, %arg6: memref<10240xf32, #tpu.memory_space<hbm>>, %arg7: memref<2x10240x128xf32, #tpu.memory_space<hbm>>, %arg8: memref<327680xf32, #tpu.memory_space<hbm>>, %arg9: memref<10240x128xf32, #tpu.memory_space<vmem_shared>>, %arg10: memref<80x128xf32, #tpu.memory_space<vmem>>, %arg11: memref<80x8xf32, #tpu.memory_space<vmem>>, %arg12: memref<80xi32, #tpu.memory_space<vmem>>, %arg13: memref<10240xf32, #tpu.memory_space<vmem>>) attributes {dimension_semantics = [#tpu.dimension_semantics<core_parallel>, #tpu.dimension_semantics<subcore_parallel>], iteration_bounds = array<i64: 2, 16>, scalar_prefetch = 0 : i64, scratch_operands = 5 : i64, tpu.core_type = #tpu.core_type<sc_vector_subcore>, window_params = [{transform_indices = #map}, {transform_indices = #map}, {transform_indices = #map1}, {transform_indices = #map}, {transform_indices = #map1}, {transform_indices = #map2}, {transform_indices = #map1}]} {
    %mul3A = arith.constant 640 : i32
    %mul3A_0 = arith.muli %arg1, %mul3A : i32
    "tpu.region"() ({
      %run_scoped3A = tpu.sem_alloc : memref<!tpu.dma_semaphore, #tpu.memory_space<semaphore_mem>>
      %dma_start3A = arith.constant 0 : i32
      %dma_start3A_15 = tpu.memref_slice %arg9[%mul3A_0, %dma_start3A] : memref<10240x128xf32, #tpu.memory_space<vmem_shared>> -> memref<640x128xf32, #tpu.memory_space<vmem_shared>>
      %dma_start3A_16 = arith.constant 0 : i32
      %dma_start3A_17 = tpu.memref_slice %arg5[%mul3A_0, %dma_start3A_16] : memref<10240x128xf32, #tpu.memory_space<hbm>> -> memref<640x128xf32, #tpu.memory_space<hbm>>
      tpu.enqueue_dma source(%dma_start3A_17 : memref<640x128xf32, #tpu.memory_space<hbm>>) target(%dma_start3A_15 : memref<640x128xf32, #tpu.memory_space<vmem_shared>>) target_semaphore(%run_scoped3A : memref<!tpu.dma_semaphore, #tpu.memory_space<semaphore_mem>>)
      %dma_wait3A = arith.constant 0 : i32
      %dma_wait3A_18 = tpu.memref_slice %arg9[%mul3A_0, %dma_wait3A] : memref<10240x128xf32, #tpu.memory_space<vmem_shared>> -> memref<640x128xf32, #tpu.memory_space<vmem_shared>>
      %dma_wait3A_19 = arith.constant 0 : i32
      %dma_wait3A_20 = tpu.memref_slice %arg5[%mul3A_0, %dma_wait3A_19] : memref<10240x128xf32, #tpu.memory_space<hbm>> -> memref<640x128xf32, #tpu.memory_space<hbm>>
      tpu.wait_dma2 semaphore(%run_scoped3A : memref<!tpu.dma_semaphore, #tpu.memory_space<semaphore_mem>>) src(%dma_wait3A_20 : memref<640x128xf32, #tpu.memory_space<hbm>>) dst(%dma_wait3A_18 : memref<640x128xf32, #tpu.memory_space<vmem_shared>>)
      tpu.yield
    }) : () -> ()
    "tpu.region"() ({
      %run_scoped3A = tpu.sem_alloc : memref<!tpu.dma_semaphore, #tpu.memory_space<semaphore_mem>>
      tpu.enqueue_dma source(%arg6 : memref<10240xf32, #tpu.memory_space<hbm>>) target(%arg13 : memref<10240xf32, #tpu.memory_space<vmem>>) target_semaphore(%run_scoped3A : memref<!tpu.dma_semaphore, #tpu.memory_space<semaphore_mem>>)
      tpu.wait_dma2 semaphore(%run_scoped3A : memref<!tpu.dma_semaphore, #tpu.memory_space<semaphore_mem>>) src(%arg6 : memref<10240xf32, #tpu.memory_space<hbm>>) dst(%arg13 : memref<10240xf32, #tpu.memory_space<vmem>>)
      tpu.yield
    }) : () -> ()
    %barrier3A = arith.constant 0 : index
    tpu.barrier barrier_id(%barrier3A)
    %mul3A_1 = arith.constant 160000 : i32
    %mul3A_2 = arith.muli %arg0, %mul3A_1 : i32
    %mul3A_3 = arith.constant 10000 : i32
    %mul3A_4 = arith.muli %arg1, %mul3A_3 : i32
    %add3A = arith.addi %mul3A_2, %mul3A_4 : i32
    %scan3A = arith.constant 0 : i32
    %scan3A_5 = arith.constant 125 : i32
    %scan3A_6 = arith.addi %scan3A, %scan3A_5 : i32
    %scan3A_7 = arith.constant 1 : i32
    scf.for %scan3A_15 = %scan3A to %scan3A_6 step %scan3A_7  : i32 {
      %mul3A_16 = arith.constant 1 : i32
      %mul3A_17 = arith.muli %scan3A_15, %mul3A_16 : i32
      %add3A_18 = arith.constant 0 : i32
      %add3A_19 = arith.addi %add3A_18, %mul3A_17 : i32
      %mul3A_20 = arith.constant 80 : i32
      %mul3A_21 = arith.muli %add3A_19, %mul3A_20 : i32
      %add3A_22 = arith.addi %add3A, %mul3A_21 : i32
      "tpu.region"() ({
        %run_scoped3A = tpu.sem_alloc : memref<!tpu.dma_semaphore, #tpu.memory_space<semaphore_mem>>
        %dma_start3A = tpu.memref_slice %arg4[%add3A_22] : memref<320000xi32, #tpu.memory_space<hbm>> -> memref<80xi32, #tpu.memory_space<hbm>>
        %dma_start3A_28 = tpu.memref_slice %arg4[%add3A_22] : memref<320000xi32, #tpu.memory_space<hbm>> -> memref<80xi32, #tpu.memory_space<hbm>>
        tpu.enqueue_dma source(%dma_start3A_28 : memref<80xi32, #tpu.memory_space<hbm>>) target(%arg12 : memref<80xi32, #tpu.memory_space<vmem>>) target_semaphore(%run_scoped3A : memref<!tpu.dma_semaphore, #tpu.memory_space<semaphore_mem>>)
        %dma_wait3A = tpu.memref_slice %arg4[%add3A_22] : memref<320000xi32, #tpu.memory_space<hbm>> -> memref<80xi32, #tpu.memory_space<hbm>>
        %dma_wait3A_29 = tpu.memref_slice %arg4[%add3A_22] : memref<320000xi32, #tpu.memory_space<hbm>> -> memref<80xi32, #tpu.memory_space<hbm>>
        tpu.wait_dma2 semaphore(%run_scoped3A : memref<!tpu.dma_semaphore, #tpu.memory_space<semaphore_mem>>) src(%dma_wait3A_29 : memref<80xi32, #tpu.memory_space<hbm>>) dst(%arg12 : memref<80xi32, #tpu.memory_space<vmem>>)
        tpu.yield
      }) : () -> ()
      "tpu.region"() ({
        %run_scoped3A = tpu.sem_alloc : memref<!tpu.dma_semaphore, #tpu.memory_space<semaphore_mem>>
        %dma_start3A = arith.constant 0 : i32
        %dma_start3A_28 = tpu.memref_slice %arg2[%add3A_22, %dma_start3A] : memref<320000x128xf32, #tpu.memory_space<hbm>> -> memref<80x128xf32, #tpu.memory_space<hbm>>
        %dma_start3A_29 = arith.constant 0 : i32
        %dma_start3A_30 = tpu.memref_slice %arg2[%add3A_22, %dma_start3A_29] : memref<320000x128xf32, #tpu.memory_space<hbm>> -> memref<80x128xf32, #tpu.memory_space<hbm>>
        tpu.enqueue_dma source(%dma_start3A_30 : memref<80x128xf32, #tpu.memory_space<hbm>>) target(%arg10 : memref<80x128xf32, #tpu.memory_space<vmem>>) target_semaphore(%run_scoped3A : memref<!tpu.dma_semaphore, #tpu.memory_space<semaphore_mem>>)
        %dma_wait3A = arith.constant 0 : i32
        %dma_wait3A_31 = tpu.memref_slice %arg2[%add3A_22, %dma_wait3A] : memref<320000x128xf32, #tpu.memory_space<hbm>> -> memref<80x128xf32, #tpu.memory_space<hbm>>
        %dma_wait3A_32 = arith.constant 0 : i32
        %dma_wait3A_33 = tpu.memref_slice %arg2[%add3A_22, %dma_wait3A_32] : memref<320000x128xf32, #tpu.memory_space<hbm>> -> memref<80x128xf32, #tpu.memory_space<hbm>>
        tpu.wait_dma2 semaphore(%run_scoped3A : memref<!tpu.dma_semaphore, #tpu.memory_space<semaphore_mem>>) src(%dma_wait3A_33 : memref<80x128xf32, #tpu.memory_space<hbm>>) dst(%arg10 : memref<80x128xf32, #tpu.memory_space<vmem>>)
        tpu.yield
      }) : () -> ()
      "tpu.region"() ({
        %run_scoped3A = tpu.sem_alloc : memref<!tpu.dma_semaphore, #tpu.memory_space<semaphore_mem>>
        %dma_start3A = arith.constant 0 : i32
        %dma_start3A_28 = tpu.memref_slice %arg3[%add3A_22, %dma_start3A] : memref<320000x8xf32, #tpu.memory_space<hbm>> -> memref<80x8xf32, #tpu.memory_space<hbm>>
        %dma_start3A_29 = arith.constant 0 : i32
        %dma_start3A_30 = tpu.memref_slice %arg3[%add3A_22, %dma_start3A_29] : memref<320000x8xf32, #tpu.memory_space<hbm>> -> memref<80x8xf32, #tpu.memory_space<hbm>>
        tpu.enqueue_dma source(%dma_start3A_30 : memref<80x8xf32, #tpu.memory_space<hbm>>) target(%arg11 : memref<80x8xf32, #tpu.memory_space<vmem>>) target_semaphore(%run_scoped3A : memref<!tpu.dma_semaphore, #tpu.memory_space<semaphore_mem>>)
        %dma_wait3A = arith.constant 0 : i32
        %dma_wait3A_31 = tpu.memref_slice %arg3[%add3A_22, %dma_wait3A] : memref<320000x8xf32, #tpu.memory_space<hbm>> -> memref<80x8xf32, #tpu.memory_space<hbm>>
        %dma_wait3A_32 = arith.constant 0 : i32
        %dma_wait3A_33 = tpu.memref_slice %arg3[%add3A_22, %dma_wait3A_32] : memref<320000x8xf32, #tpu.memory_space<hbm>> -> memref<80x8xf32, #tpu.memory_space<hbm>>
        tpu.wait_dma2 semaphore(%run_scoped3A : memref<!tpu.dma_semaphore, #tpu.memory_space<semaphore_mem>>) src(%dma_wait3A_33 : memref<80x8xf32, #tpu.memory_space<hbm>>) dst(%arg11 : memref<80x8xf32, #tpu.memory_space<vmem>>)
        tpu.yield
      }) : () -> ()
      "tpu.region"() ({
        %run_scoped3A = tpu.sem_alloc : memref<!tpu.dma_semaphore, #tpu.memory_space<semaphore_mem>>
        %dma_start3A = arith.constant 0 : i32
        %dma_start3A_28 = arith.constant 0 : i32
        %dma_start3A_29 = tpu.memref_slice %arg9[%dma_start3A, %dma_start3A_28] : memref<10240x128xf32, #tpu.memory_space<vmem_shared>> -> memref<10240x128xf32, #tpu.memory_space<vmem_shared>>
        tpu.enqueue_indirect_dma source(%arg10 : memref<80x128xf32, #tpu.memory_space<vmem>>) target(%dma_start3A_29 : memref<10240x128xf32, #tpu.memory_space<vmem_shared>>) offsets(%arg12 : memref<80xi32, #tpu.memory_space<vmem>>) semaphore(%run_scoped3A : memref<!tpu.dma_semaphore, #tpu.memory_space<semaphore_mem>>) {add = true}
        %dma_wait3A = arith.constant 0 : i32
        %dma_wait3A_30 = arith.constant 0 : i32
        %dma_wait3A_31 = tpu.memref_slice %arg9[%dma_wait3A, %dma_wait3A_30] : memref<10240x128xf32, #tpu.memory_space<vmem_shared>> -> memref<10240x128xf32, #tpu.memory_space<vmem_shared>>
        tpu.wait_indirect_dma semaphore(%run_scoped3A : memref<!tpu.dma_semaphore, #tpu.memory_space<semaphore_mem>>) src(%arg10 : memref<80x128xf32, #tpu.memory_space<vmem>>) dst(%dma_wait3A_31 : memref<10240x128xf32, #tpu.memory_space<vmem_shared>>)
        tpu.yield
      }) : () -> ()
      %scan3A_23 = arith.constant 0 : i32
      %scan3A_24 = arith.constant 5 : i32
      %scan3A_25 = arith.addi %scan3A_23, %scan3A_24 : i32
      %scan3A_26 = arith.constant 1 : i32
      scf.for %scan3A_28 = %scan3A_23 to %scan3A_25 step %scan3A_26  : i32 {
        %mul3A_29 = arith.constant 1 : i32
        %mul3A_30 = arith.muli %scan3A_28, %mul3A_29 : i32
        %add3A_31 = arith.constant 0 : i32
        %add3A_32 = arith.addi %add3A_31, %mul3A_30 : i32
        %iota3A = tpu.iota {dimensions = array<i32: 0>} : vector<16xi32>
        %mul3A_33 = arith.constant 16 : i32
        %mul3A_34 = arith.muli %add3A_32, %mul3A_33 : i32
        %add3A_35 = vector.broadcast %mul3A_34 : i32 to vector<16xi32>
        %add3A_36 = arith.addi %iota3A, %add3A_35 : vector<16xi32>
        %broadcast_in_dim3A = arith.constant 0 : i32
        %broadcast_in_dim3A_37 = vector.broadcast %broadcast_in_dim3A : i32 to vector<16xi32>
        %gather3A = tpu.vector_load_idx %arg12[%add3A_36] : memref<80xi32, #tpu.memory_space<vmem>>[vector<16xi32>], vector<16xi32>,
        %gather3A_38 = tpu.vector_load_idx %arg11[%add3A_36, %broadcast_in_dim3A_37] : memref<80x8xf32, #tpu.memory_space<vmem>>[vector<16xi32>, vector<16xi32>], vector<16xf32>,
        tpu.vector_store_idx %arg13[%gather3A], %gather3A_38 {add = true} : memref<10240xf32, #tpu.memory_space<vmem>>[vector<16xi32>], vector<16xf32>,
      }
      %scan3A_27 = arith.constant 5 : i32
    }
    %scan3A_8 = arith.constant 125 : i32
    %barrier3A_9 = arith.constant 0 : index
    tpu.barrier barrier_id(%barrier3A_9)
    "tpu.region"() ({
      %run_scoped3A = tpu.sem_alloc : memref<!tpu.dma_semaphore, #tpu.memory_space<semaphore_mem>>
      %dma_start3A = arith.constant 0 : i32
      %dma_start3A_15 = tpu.memref_slice %arg7[%arg0, %mul3A_0, %dma_start3A] : memref<2x10240x128xf32, #tpu.memory_space<hbm>> -> memref<1x640x128xf32, #tpu.memory_space<hbm>>
      %dma_start3A_16 = tpu.memref_squeeze %dma_start3A_15 : memref<1x640x128xf32, #tpu.memory_space<hbm>> -> memref<640x128xf32, #tpu.memory_space<hbm>>
      %dma_start3A_17 = arith.constant 0 : i32
      %dma_start3A_18 = tpu.memref_slice %arg9[%mul3A_0, %dma_start3A_17] : memref<10240x128xf32, #tpu.memory_space<vmem_shared>> -> memref<640x128xf32, #tpu.memory_space<vmem_shared>>
      tpu.enqueue_dma source(%dma_start3A_18 : memref<640x128xf32, #tpu.memory_space<vmem_shared>>) target(%dma_start3A_16 : memref<640x128xf32, #tpu.memory_space<hbm>>) target_semaphore(%run_scoped3A : memref<!tpu.dma_semaphore, #tpu.memory_space<semaphore_mem>>)
      %dma_wait3A = arith.constant 0 : i32
      %dma_wait3A_19 = tpu.memref_slice %arg7[%arg0, %mul3A_0, %dma_wait3A] : memref<2x10240x128xf32, #tpu.memory_space<hbm>> -> memref<1x640x128xf32, #tpu.memory_space<hbm>>
      %dma_wait3A_20 = tpu.memref_squeeze %dma_wait3A_19 : memref<1x640x128xf32, #tpu.memory_space<hbm>> -> memref<640x128xf32, #tpu.memory_space<hbm>>
      %dma_wait3A_21 = arith.constant 0 : i32
      %dma_wait3A_22 = tpu.memref_slice %arg9[%mul3A_0, %dma_wait3A_21] : memref<10240x128xf32, #tpu.memory_space<vmem_shared>> -> memref<640x128xf32, #tpu.memory_space<vmem_shared>>
      tpu.wait_dma2 semaphore(%run_scoped3A : memref<!tpu.dma_semaphore, #tpu.memory_space<semaphore_mem>>) src(%dma_wait3A_22 : memref<640x128xf32, #tpu.memory_space<vmem_shared>>) dst(%dma_wait3A_20 : memref<640x128xf32, #tpu.memory_space<hbm>>)
      tpu.yield
    }) : () -> ()
    %mul3A_10 = arith.constant 16 : i32
    %mul3A_11 = arith.muli %arg0, %mul3A_10 : i32
    %add3A_12 = arith.addi %mul3A_11, %arg1 : i32
    %mul3A_13 = arith.constant 10240 : i32
    %mul3A_14 = arith.muli %add3A_12, %mul3A_13 : i32
    "tpu.region"() ({
      %run_scoped3A = tpu.sem_alloc : memref<!tpu.dma_semaphore, #tpu.memory_space<semaphore_mem>>
      %dma_start3A = tpu.memref_slice %arg8[%mul3A_14] : memref<327680xf32, #tpu.memory_space<hbm>> -> memref<10240xf32, #tpu.memory_space<hbm>>
      %dma_start3A_15 = tpu.memref_slice %arg8[%mul3A_14] : memref<327680xf32, #tpu.memory_space<hbm>> -> memref<10240xf32, #tpu.memory_space<hbm>>
      tpu.enqueue_dma source(%arg13 : memref<10240xf32, #tpu.memory_space<vmem>>) target(%dma_start3A_15 : memref<10240xf32, #tpu.memory_space<hbm>>) target_semaphore(%run_scoped3A : memref<!tpu.dma_semaphore, #tpu.memory_space<semaphore_mem>>)
      %dma_wait3A = tpu.memref_slice %arg8[%mul3A_14] : memref<327680xf32, #tpu.memory_space<hbm>> -> memref<10240xf32, #tpu.memory_space<hbm>>
      %dma_wait3A_16 = tpu.memref_slice %arg8[%mul3A_14] : memref<327680xf32, #tpu.memory_space<hbm>> -> memref<10240xf32, #tpu.memory_space<hbm>>
      tpu.wait_dma2 semaphore(%run_scoped3A : memref<!tpu.dma_semaphore, #tpu.memory_space<semaphore_mem>>) src(%arg13 : memref<10240xf32, #tpu.memory_space<vmem>>) dst(%dma_wait3A_16 : memref<10240xf32, #tpu.memory_space<hbm>>)
      tpu.yield
    }) : () -> ()
    return
  }
}

module attributes {stable_mosaic.version = 14 : i64} {
  func.func @_tables_body(%arg0: i32, %arg1: memref<400x128xf32, #tpu.memory_space<vmem>>, %arg2: memref<128x512xf32, #tpu.memory_space<vmem>>, %arg3: memref<1x128xf32, #tpu.memory_space<vmem>>, %arg4: memref<400x128xi32, #tpu.memory_space<vmem>>, %arg5: memref<400x128xi32, #tpu.memory_space<vmem>>) attributes {dimension_semantics = [#tpu.dimension_semantics<arbitrary>], iteration_bounds = array<i64: 25>, scalar_prefetch = 0 : i64, scratch_operands = 0 : i64, tpu.core_type = #tpu.core_type<tc>, window_params = [{transform_indices = @transform_0, window_bounds = array<i64: 400, 128>}, {pipeline_mode = #tpu.pipeline_mode<synchronous>, transform_indices = @transform_1, window_bounds = array<i64: 128, 512>}, {pipeline_mode = #tpu.pipeline_mode<synchronous>, transform_indices = @transform_2, window_bounds = array<i64: 1, 128>}, {transform_indices = @transform_3, window_bounds = array<i64: 400, 128>}, {transform_indices = @transform_4, window_bounds = array<i64: 400, 128>}]} {
    %get3A = arith.constant 0 : index
    %get3A_0 = arith.constant 0 : index
    %get3A_1 = vector.load %arg1[%get3A, %get3A_0] : memref<400x128xf32, #tpu.memory_space<vmem>>, vector<400x128xf32>
    %get3A_2 = arith.constant 0 : index
    %get3A_3 = arith.constant 0 : index
    %get3A_4 = vector.load %arg2[%get3A_2, %get3A_3] : memref<128x512xf32, #tpu.memory_space<vmem>>, vector<128x512xf32>
    %dot_general3A = arith.constant dense<0.000000e+00> : vector<400x512xf32>
    %dot_general3A_5 = tpu.matmul %get3A_1, %get3A_4, %dot_general3A {dimension_numbers = #tpu.dot_dimension_numbers<[1], [0], [0], [1], [0, 0, 1, 1], [], []>, transpose_lhs_hint = false} : vector<400x128xf32>, vector<128x512xf32>, vector<400x512xf32> -> vector<400x512xf32>
    %slice3A = vector.extract_strided_slice %dot_general3A_5 {offsets = [0, 0], sizes = [400, 128], strides = [1, 1]} : vector<400x512xf32> to vector<400x128xf32>
    %get3A_6 = arith.constant 0 : index
    %get3A_7 = arith.constant 0 : index
    %get3A_8 = vector.load %arg3[%get3A_6, %get3A_7] : memref<1x128xf32, #tpu.memory_space<vmem>>, vector<1x128xf32>
    %add3A = vector.broadcast %get3A_8 : vector<1x128xf32> to vector<400x128xf32>
    %add3A_9 = arith.addf %slice3A, %add3A : vector<400x128xf32>
    %slice3A_10 = vector.extract_strided_slice %dot_general3A_5 {offsets = [0, 128], sizes = [400, 128], strides = [1, 1]} : vector<400x512xf32> to vector<400x128xf32>
    %slice3A_11 = vector.extract_strided_slice %dot_general3A_5 {offsets = [0, 256], sizes = [400, 128], strides = [1, 1]} : vector<400x512xf32> to vector<400x128xf32>
    %slice3A_12 = vector.extract_strided_slice %dot_general3A_5 {offsets = [0, 384], sizes = [400, 128], strides = [1, 1]} : vector<400x512xf32> to vector<400x128xf32>
    %convert_element_type3A = arith.truncf %add3A_9 : vector<400x128xf32> to vector<400x128xbf16>
    %convert_element_type3A_13 = arith.extf %convert_element_type3A : vector<400x128xbf16> to vector<400x128xf32>
    %bitcast_convert_type3A = tpu.bitcast %convert_element_type3A_13 : vector<400x128xf32> -> vector<400x128xi32>
    %convert_element_type3A_14 = arith.truncf %slice3A_11 : vector<400x128xf32> to vector<400x128xbf16>
    %convert_element_type3A_15 = arith.extf %convert_element_type3A_14 : vector<400x128xbf16> to vector<400x128xf32>
    %bitcast_convert_type3A_16 = tpu.bitcast %convert_element_type3A_15 : vector<400x128xf32> -> vector<400x128xi32>
    %shift_right_logical3A = arith.constant 16 : i32
    %shift_right_logical3A_17 = vector.broadcast %shift_right_logical3A : i32 to vector<400x128xi32>
    %shift_right_logical3A_18 = arith.shrui %bitcast_convert_type3A, %shift_right_logical3A_17 : vector<400x128xi32>
    %and3A = arith.constant -65536 : i32
    %and3A_19 = vector.broadcast %and3A : i32 to vector<400x128xi32>
    %and3A_20 = arith.andi %bitcast_convert_type3A_16, %and3A_19 : vector<400x128xi32>
    %or3A = arith.ori %shift_right_logical3A_18, %and3A_20 : vector<400x128xi32>
    %bitcast_convert_type3A_21 = tpu.bitcast %or3A : vector<400x128xi32> -> vector<400x128xi32>
    %swap3A = arith.constant 0 : index
    %swap3A_22 = arith.constant 0 : index
    %swap3A_23 = vector.load %arg4[%swap3A, %swap3A_22] : memref<400x128xi32, #tpu.memory_space<vmem>>, vector<400x128xi32>
    tpu.vector_store %arg4[%swap3A, %swap3A_22], %bitcast_convert_type3A_21 {strides = array<i32>} : memref<400x128xi32, #tpu.memory_space<vmem>>, vector<400x128xi32>,
    %convert_element_type3A_24 = arith.truncf %slice3A_10 : vector<400x128xf32> to vector<400x128xbf16>
    %convert_element_type3A_25 = arith.extf %convert_element_type3A_24 : vector<400x128xbf16> to vector<400x128xf32>
    %bitcast_convert_type3A_26 = tpu.bitcast %convert_element_type3A_25 : vector<400x128xf32> -> vector<400x128xi32>
    %convert_element_type3A_27 = arith.truncf %slice3A_12 : vector<400x128xf32> to vector<400x128xbf16>
    %convert_element_type3A_28 = arith.extf %convert_element_type3A_27 : vector<400x128xbf16> to vector<400x128xf32>
    %bitcast_convert_type3A_29 = tpu.bitcast %convert_element_type3A_28 : vector<400x128xf32> -> vector<400x128xi32>
    %shift_right_logical3A_30 = arith.constant 16 : i32
    %shift_right_logical3A_31 = vector.broadcast %shift_right_logical3A_30 : i32 to vector<400x128xi32>
    %shift_right_logical3A_32 = arith.shrui %bitcast_convert_type3A_26, %shift_right_logical3A_31 : vector<400x128xi32>
    %and3A_33 = arith.constant -65536 : i32
    %and3A_34 = vector.broadcast %and3A_33 : i32 to vector<400x128xi32>
    %and3A_35 = arith.andi %bitcast_convert_type3A_29, %and3A_34 : vector<400x128xi32>
    %or3A_36 = arith.ori %shift_right_logical3A_32, %and3A_35 : vector<400x128xi32>
    %bitcast_convert_type3A_37 = tpu.bitcast %or3A_36 : vector<400x128xi32> -> vector<400x128xi32>
    %swap3A_38 = arith.constant 0 : index
    %swap3A_39 = arith.constant 0 : index
    %swap3A_40 = vector.load %arg5[%swap3A_38, %swap3A_39] : memref<400x128xi32, #tpu.memory_space<vmem>>, vector<400x128xi32>
    tpu.vector_store %arg5[%swap3A_38, %swap3A_39], %bitcast_convert_type3A_37 {strides = array<i32>} : memref<400x128xi32, #tpu.memory_space<vmem>>, vector<400x128xi32>,
    return
  }
  func.func @transform_0(%arg0: i32) -> (i32, i32) {
    %c0_i32 = arith.constant 0 : i32
    %c0_i32_0 = arith.constant 0 : i32
    return %arg0, %c0_i32 : i32, i32
  }
  func.func @transform_1(%arg0: i32) -> (i32, i32) {
    %c0_i32 = arith.constant 0 : i32
    %c0_i32_0 = arith.constant 0 : i32
    %c0_i32_1 = arith.constant 0 : i32
    return %c0_i32, %c0_i32_0 : i32, i32
  }
  func.func @transform_2(%arg0: i32) -> (i32, i32) {
    %c0_i32 = arith.constant 0 : i32
    %c0_i32_0 = arith.constant 0 : i32
    %c0_i32_1 = arith.constant 0 : i32
    return %c0_i32, %c0_i32_0 : i32, i32
  }
  func.func @transform_3(%arg0: i32) -> (i32, i32) {
    %c0_i32 = arith.constant 0 : i32
    %c0_i32_0 = arith.constant 0 : i32
    return %arg0, %c0_i32 : i32, i32
  }
  func.func @transform_4(%arg0: i32) -> (i32, i32) {
    %c0_i32 = arith.constant 0 : i32
    %c0_i32_0 = arith.constant 0 : i32
    return %arg0, %c0_i32 : i32, i32
  }
}

module attributes {stable_mosaic.version = 14 : i64} {
  func.func @_dense_body(%arg0: i32, %arg1: memref<640x128xi32, #tpu.memory_space<vmem>>, %arg2: memref<640x128xi32, #tpu.memory_space<vmem>>, %arg3: memref<640x8xf32, #tpu.memory_space<vmem>>, %arg4: memref<640x8xf32, #tpu.memory_space<vmem>>, %arg5: memref<128x128xf32, #tpu.memory_space<vmem>>, %arg6: memref<1x128xf32, #tpu.memory_space<vmem>>, %arg7: memref<1x128xf32, #tpu.memory_space<vmem>>, %arg8: memref<8x128xf32, #tpu.memory_space<vmem>>, %arg9: memref<1x128xf32, #tpu.memory_space<vmem>>, %arg10: memref<8x128xf32, #tpu.memory_space<vmem>>, %arg11: memref<640x128xf32, #tpu.memory_space<vmem>>, %arg12: memref<640x8xf32, #tpu.memory_space<vmem>>) attributes {dimension_semantics = [#tpu.dimension_semantics<arbitrary>], iteration_bounds = array<i64: 500>, scalar_prefetch = 0 : i64, scratch_operands = 0 : i64, tpu.core_type = #tpu.core_type<tc>, window_params = [{transform_indices = @transform_0, window_bounds = array<i64: 640, 128>}, {transform_indices = @transform_1, window_bounds = array<i64: 640, 128>}, {transform_indices = @transform_2, window_bounds = array<i64: 640, 8>}, {transform_indices = @transform_3, window_bounds = array<i64: 640, 8>}, {pipeline_mode = #tpu.pipeline_mode<synchronous>, transform_indices = @transform_4, window_bounds = array<i64: 128, 128>}, {pipeline_mode = #tpu.pipeline_mode<synchronous>, transform_indices = @transform_5, window_bounds = array<i64: 1, 128>}, {pipeline_mode = #tpu.pipeline_mode<synchronous>, transform_indices = @transform_6, window_bounds = array<i64: 1, 128>}, {pipeline_mode = #tpu.pipeline_mode<synchronous>, transform_indices = @transform_7, window_bounds = array<i64: 8, 128>}, {pipeline_mode = #tpu.pipeline_mode<synchronous>, transform_indices = @transform_8, window_bounds = array<i64: 1, 128>}, {pipeline_mode = #tpu.pipeline_mode<synchronous>, transform_indices = @transform_9, window_bounds = array<i64: 8, 128>}, {transform_indices = @transform_10, window_bounds = array<i64: 640, 128>}, {transform_indices = @transform_11, window_bounds = array<i64: 640, 8>}]} {
    %get3A = arith.constant 0 : index
    %get3A_0 = arith.constant 0 : index
    %get3A_1 = vector.load %arg1[%get3A, %get3A_0] : memref<640x128xi32, #tpu.memory_space<vmem>>, vector<640x128xi32>
    %bitcast_convert_type3A = tpu.bitcast %get3A_1 : vector<640x128xi32> -> vector<640x128xi32>
    %get3A_2 = arith.constant 0 : index
    %get3A_3 = arith.constant 0 : index
    %get3A_4 = vector.load %arg2[%get3A_2, %get3A_3] : memref<640x128xi32, #tpu.memory_space<vmem>>, vector<640x128xi32>
    %bitcast_convert_type3A_5 = tpu.bitcast %get3A_4 : vector<640x128xi32> -> vector<640x128xi32>
    %shift_left3A = arith.constant 16 : i32
    %shift_left3A_6 = vector.broadcast %shift_left3A : i32 to vector<640x128xi32>
    %shift_left3A_7 = arith.shli %bitcast_convert_type3A, %shift_left3A_6 : vector<640x128xi32>
    %bitcast_convert_type3A_8 = tpu.bitcast %shift_left3A_7 : vector<640x128xi32> -> vector<640x128xf32>
    %and3A = arith.constant -65536 : i32
    %and3A_9 = vector.broadcast %and3A : i32 to vector<640x128xi32>
    %and3A_10 = arith.andi %bitcast_convert_type3A, %and3A_9 : vector<640x128xi32>
    %bitcast_convert_type3A_11 = tpu.bitcast %and3A_10 : vector<640x128xi32> -> vector<640x128xf32>
    %shift_left3A_12 = arith.constant 16 : i32
    %shift_left3A_13 = vector.broadcast %shift_left3A_12 : i32 to vector<640x128xi32>
    %shift_left3A_14 = arith.shli %bitcast_convert_type3A_5, %shift_left3A_13 : vector<640x128xi32>
    %bitcast_convert_type3A_15 = tpu.bitcast %shift_left3A_14 : vector<640x128xi32> -> vector<640x128xf32>
    %and3A_16 = arith.constant -65536 : i32
    %and3A_17 = vector.broadcast %and3A_16 : i32 to vector<640x128xi32>
    %and3A_18 = arith.andi %bitcast_convert_type3A_5, %and3A_17 : vector<640x128xi32>
    %bitcast_convert_type3A_19 = tpu.bitcast %and3A_18 : vector<640x128xi32> -> vector<640x128xf32>
    %get3A_20 = arith.constant 0 : index
    %get3A_21 = arith.constant 0 : index
    %get3A_22 = vector.load %arg3[%get3A_20, %get3A_21] : memref<640x8xf32, #tpu.memory_space<vmem>>, vector<640x1xf32>
    %sqrt3A = math.sqrt %get3A_22 : vector<640x1xf32>
    %get3A_23 = arith.constant 0 : index
    %get3A_24 = arith.constant 0 : index
    %get3A_25 = vector.load %arg4[%get3A_23, %get3A_24] : memref<640x8xf32, #tpu.memory_space<vmem>>, vector<640x8xf32>
    %get3A_26 = arith.constant 0 : index
    %get3A_27 = arith.constant 0 : index
    %get3A_28 = vector.load %arg8[%get3A_26, %get3A_27] : memref<8x128xf32, #tpu.memory_space<vmem>>, vector<8x128xf32>
    %dot_general3A = arith.constant dense<0.000000e+00> : vector<640x128xf32>
    %dot_general3A_29 = tpu.matmul %get3A_25, %get3A_28, %dot_general3A {dimension_numbers = #tpu.dot_dimension_numbers<[1], [0], [0], [1], [0, 0, 1, 1], [], []>, transpose_lhs_hint = false} : vector<640x8xf32>, vector<8x128xf32>, vector<640x128xf32> -> vector<640x128xf32>
    %add3A = arith.addf %bitcast_convert_type3A_8, %bitcast_convert_type3A_15 : vector<640x128xf32>
    %get3A_30 = arith.constant 0 : index
    %get3A_31 = arith.constant 0 : index
    %get3A_32 = vector.load %arg7[%get3A_30, %get3A_31] : memref<1x128xf32, #tpu.memory_space<vmem>>, vector<1x128xf32>
    %mul3A = vector.broadcast %sqrt3A : vector<640x1xf32> to vector<640x128xf32>
    %mul3A_33 = vector.broadcast %get3A_32 : vector<1x128xf32> to vector<640x128xf32>
    %mul3A_34 = arith.mulf %mul3A, %mul3A_33 : vector<640x128xf32>
    %add3A_35 = arith.addf %add3A, %mul3A_34 : vector<640x128xf32>
    %add3A_36 = arith.addf %add3A_35, %dot_general3A_29 : vector<640x128xf32>
    %logistic3A = arith.negf %add3A_36 : vector<640x128xf32>
    %logistic3A_37 = math.exp %logistic3A : vector<640x128xf32>
    %logistic3A_38 = arith.constant 1.000000e+00 : f32
    %logistic3A_39 = vector.broadcast %logistic3A_38 : f32 to vector<640x128xf32>
    %logistic3A_40 = arith.addf %logistic3A_39, %logistic3A_37 : vector<640x128xf32>
    %logistic3A_41 = arith.divf %logistic3A_39, %logistic3A_40 : vector<640x128xf32>
    %mul3A_42 = arith.mulf %add3A_36, %logistic3A_41 : vector<640x128xf32>
    %get3A_43 = arith.constant 0 : index
    %get3A_44 = arith.constant 0 : index
    %get3A_45 = vector.load %arg5[%get3A_43, %get3A_44] : memref<128x128xf32, #tpu.memory_space<vmem>>, vector<128x128xf32>
    %dot_general3A_46 = arith.constant dense<0.000000e+00> : vector<640x128xf32>
    %dot_general3A_47 = tpu.matmul %mul3A_42, %get3A_45, %dot_general3A_46 {dimension_numbers = #tpu.dot_dimension_numbers<[1], [0], [0], [1], [0, 0, 1, 1], [], []>, transpose_lhs_hint = false} : vector<640x128xf32>, vector<128x128xf32>, vector<640x128xf32> -> vector<640x128xf32>
    %get3A_48 = arith.constant 0 : index
    %get3A_49 = arith.constant 0 : index
    %get3A_50 = vector.load %arg6[%get3A_48, %get3A_49] : memref<1x128xf32, #tpu.memory_space<vmem>>, vector<1x128xf32>
    %add3A_51 = vector.broadcast %get3A_50 : vector<1x128xf32> to vector<640x128xf32>
    %add3A_52 = arith.addf %dot_general3A_47, %add3A_51 : vector<640x128xf32>
    %logistic3A_53 = arith.negf %add3A_52 : vector<640x128xf32>
    %logistic3A_54 = math.exp %logistic3A_53 : vector<640x128xf32>
    %logistic3A_55 = arith.constant 1.000000e+00 : f32
    %logistic3A_56 = vector.broadcast %logistic3A_55 : f32 to vector<640x128xf32>
    %logistic3A_57 = arith.addf %logistic3A_56, %logistic3A_54 : vector<640x128xf32>
    %logistic3A_58 = arith.divf %logistic3A_56, %logistic3A_57 : vector<640x128xf32>
    %mul3A_59 = arith.mulf %add3A_52, %logistic3A_58 : vector<640x128xf32>
    %get3A_60 = arith.constant 0 : index
    %get3A_61 = arith.constant 0 : index
    %get3A_62 = vector.load %arg9[%get3A_60, %get3A_61] : memref<1x128xf32, #tpu.memory_space<vmem>>, vector<1x128xf32>
    %mul3A_63 = vector.broadcast %sqrt3A : vector<640x1xf32> to vector<640x128xf32>
    %mul3A_64 = vector.broadcast %get3A_62 : vector<1x128xf32> to vector<640x128xf32>
    %mul3A_65 = arith.mulf %mul3A_63, %mul3A_64 : vector<640x128xf32>
    %add3A_66 = arith.addf %bitcast_convert_type3A_11, %mul3A_65 : vector<640x128xf32>
    %get3A_67 = arith.constant 0 : index
    %get3A_68 = arith.constant 0 : index
    %get3A_69 = vector.load %arg4[%get3A_67, %get3A_68] : memref<640x8xf32, #tpu.memory_space<vmem>>, vector<640x8xf32>
    %get3A_70 = arith.constant 0 : index
    %get3A_71 = arith.constant 0 : index
    %get3A_72 = vector.load %arg10[%get3A_70, %get3A_71] : memref<8x128xf32, #tpu.memory_space<vmem>>, vector<8x128xf32>
    %dot_general3A_73 = arith.constant dense<0.000000e+00> : vector<640x128xf32>
    %dot_general3A_74 = tpu.matmul %get3A_69, %get3A_72, %dot_general3A_73 {dimension_numbers = #tpu.dot_dimension_numbers<[1], [0], [0], [1], [0, 0, 1, 1], [], []>, transpose_lhs_hint = false} : vector<640x8xf32>, vector<8x128xf32>, vector<640x128xf32> -> vector<640x128xf32>
    %add3A_75 = arith.addf %add3A_66, %dot_general3A_74 : vector<640x128xf32>
    %mul3A_76 = arith.mulf %add3A_75, %bitcast_convert_type3A_19 : vector<640x128xf32>
    %reduce_sum3A = arith.constant dense<0.000000e+00> : vector<640xf32>
    %reduce_sum3A_77 = vector.multi_reduction <add>, %mul3A_76, %reduce_sum3A [1] : vector<640x128xf32> to vector<640xf32>
    %broadcast_in_dim3A = vector.shape_cast %reduce_sum3A_77 : vector<640xf32> to vector<640x1xf32>
    %mul3A_78 = arith.constant 0.0883883461 : f32
    %mul3A_79 = vector.broadcast %mul3A_78 : f32 to vector<640x1xf32>
    %mul3A_80 = arith.mulf %broadcast_in_dim3A, %mul3A_79 : vector<640x1xf32>
    %exp3A = math.exp %mul3A_80 : vector<640x1xf32>
    %mul3A_81 = vector.broadcast %exp3A : vector<640x1xf32> to vector<640x128xf32>
    %mul3A_82 = arith.mulf %mul3A_59, %mul3A_81 : vector<640x128xf32>
    %swap3A = arith.constant 0 : index
    %swap3A_83 = arith.constant 0 : index
    %swap3A_84 = vector.load %arg11[%swap3A, %swap3A_83] : memref<640x128xf32, #tpu.memory_space<vmem>>, vector<640x128xf32>
    tpu.vector_store %arg11[%swap3A, %swap3A_83], %mul3A_82 {strides = array<i32>} : memref<640x128xf32, #tpu.memory_space<vmem>>, vector<640x128xf32>,
    %broadcast_in_dim3A_85 = arith.constant 0.000000e+00 : f32
    %broadcast_in_dim3A_86 = vector.broadcast %broadcast_in_dim3A_85 : f32 to vector<640x7xf32>
    %concatenate3A = tpu.concatenate %exp3A, %broadcast_in_dim3A_86 in 1 : vector<640x1xf32>, vector<640x7xf32> -> vector<640x8xf32>
    %swap3A_87 = arith.constant 0 : index
    %swap3A_88 = arith.constant 0 : index
    %swap3A_89 = vector.load %arg12[%swap3A_87, %swap3A_88] : memref<640x8xf32, #tpu.memory_space<vmem>>, vector<640x8xf32>
    tpu.vector_store %arg12[%swap3A_87, %swap3A_88], %concatenate3A {strides = array<i32>} : memref<640x8xf32, #tpu.memory_space<vmem>>, vector<640x8xf32>,
    return
  }
  func.func @transform_0(%arg0: i32) -> (i32, i32) {
    %c0_i32 = arith.constant 0 : i32
    %c0_i32_0 = arith.constant 0 : i32
    return %arg0, %c0_i32 : i32, i32
  }
  func.func @transform_1(%arg0: i32) -> (i32, i32) {
    %c0_i32 = arith.constant 0 : i32
    %c0_i32_0 = arith.constant 0 : i32
    return %arg0, %c0_i32 : i32, i32
  }
  func.func @transform_2(%arg0: i32) -> (i32, i32) {
    %c0_i32 = arith.constant 0 : i32
    %c0_i32_0 = arith.constant 0 : i32
    return %arg0, %c0_i32 : i32, i32
  }
  func.func @transform_3(%arg0: i32) -> (i32, i32) {
    %c0_i32 = arith.constant 0 : i32
    %c0_i32_0 = arith.constant 0 : i32
    return %arg0, %c0_i32 : i32, i32
  }
  func.func @transform_4(%arg0: i32) -> (i32, i32) {
    %c0_i32 = arith.constant 0 : i32
    %c0_i32_0 = arith.constant 0 : i32
    %c0_i32_1 = arith.constant 0 : i32
    return %c0_i32, %c0_i32_0 : i32, i32
  }
  func.func @transform_5(%arg0: i32) -> (i32, i32) {
    %c0_i32 = arith.constant 0 : i32
    %c0_i32_0 = arith.constant 0 : i32
    %c0_i32_1 = arith.constant 0 : i32
    return %c0_i32, %c0_i32_0 : i32, i32
  }
  func.func @transform_6(%arg0: i32) -> (i32, i32) {
    %c0_i32 = arith.constant 0 : i32
    %c0_i32_0 = arith.constant 0 : i32
    %c0_i32_1 = arith.constant 0 : i32
    return %c0_i32, %c0_i32_0 : i32, i32
  }
  func.func @transform_7(%arg0: i32) -> (i32, i32) {
    %c0_i32 = arith.constant 0 : i32
    %c0_i32_0 = arith.constant 0 : i32
    %c0_i32_1 = arith.constant 0 : i32
    return %c0_i32, %c0_i32_0 : i32, i32
  }
  func.func @transform_8(%arg0: i32) -> (i32, i32) {
    %c0_i32 = arith.constant 0 : i32
    %c0_i32_0 = arith.constant 0 : i32
    %c0_i32_1 = arith.constant 0 : i32
    return %c0_i32, %c0_i32_0 : i32, i32
  }
  func.func @transform_9(%arg0: i32) -> (i32, i32) {
    %c0_i32 = arith.constant 0 : i32
    %c0_i32_0 = arith.constant 0 : i32
    %c0_i32_1 = arith.constant 0 : i32
    return %c0_i32, %c0_i32_0 : i32, i32
  }
  func.func @transform_10(%arg0: i32) -> (i32, i32) {
    %c0_i32 = arith.constant 0 : i32
    %c0_i32_0 = arith.constant 0 : i32
    return %arg0, %c0_i32 : i32, i32
  }
  func.func @transform_11(%arg0: i32) -> (i32, i32) {
    %c0_i32 = arith.constant 0 : i32
    %c0_i32_0 = arith.constant 0 : i32
    return %arg0, %c0_i32 : i32, i32
  }
}

module attributes {stable_mosaic.version = 14 : i64} {
  func.func @_final_body(%arg0: i32, %arg1: memref<512x128xf32, #tpu.memory_space<vmem>>, %arg2: memref<1x512x128xf32, #tpu.memory_space<vmem>>, %arg3: memref<1x512x128xf32, #tpu.memory_space<vmem>>, %arg4: memref<32x512xf32, #tpu.memory_space<vmem>>, %arg5: memref<128x128xf32, #tpu.memory_space<vmem>>, %arg6: memref<128x128xf32, #tpu.memory_space<vmem>>, %arg7: memref<1x128xf32, #tpu.memory_space<vmem>>, %arg8: memref<128x128xf32, #tpu.memory_space<vmem>>, %arg9: memref<1x128xf32, #tpu.memory_space<vmem>>, %arg10: memref<512x128xf32, #tpu.memory_space<vmem>>) attributes {dimension_semantics = [#tpu.dimension_semantics<arbitrary>], iteration_bounds = array<i64: 20>, scalar_prefetch = 0 : i64, scratch_operands = 0 : i64, tpu.core_type = #tpu.core_type<tc>, window_params = [{transform_indices = @transform_0, window_bounds = array<i64: 512, 128>}, {transform_indices = @transform_1, window_bounds = array<i64: 1, 512, 128>}, {transform_indices = @transform_2, window_bounds = array<i64: 1, 512, 128>}, {transform_indices = @transform_3, window_bounds = array<i64: 32, 512>}, {pipeline_mode = #tpu.pipeline_mode<synchronous>, transform_indices = @transform_4, window_bounds = array<i64: 128, 128>}, {pipeline_mode = #tpu.pipeline_mode<synchronous>, transform_indices = @transform_5, window_bounds = array<i64: 128, 128>}, {pipeline_mode = #tpu.pipeline_mode<synchronous>, transform_indices = @transform_6, window_bounds = array<i64: 1, 128>}, {pipeline_mode = #tpu.pipeline_mode<synchronous>, transform_indices = @transform_7, window_bounds = array<i64: 128, 128>}, {pipeline_mode = #tpu.pipeline_mode<synchronous>, transform_indices = @transform_8, window_bounds = array<i64: 1, 128>}, {transform_indices = @transform_9, window_bounds = array<i64: 512, 128>}]} {
    %get3A = arith.constant 0 : index
    %get3A_0 = arith.constant 0 : index
    %get3A_1 = arith.constant 0 : index
    %get3A_2 = vector.load %arg2[%get3A, %get3A_0, %get3A_1] : memref<1x512x128xf32, #tpu.memory_space<vmem>>, vector<1x512x128xf32>
    %get3A_3 = vector.shape_cast %get3A_2 : vector<1x512x128xf32> to vector<512x128xf32>
    %get3A_4 = arith.constant 0 : index
    %get3A_5 = arith.constant 0 : index
    %get3A_6 = arith.constant 0 : index
    %get3A_7 = vector.load %arg3[%get3A_4, %get3A_5, %get3A_6] : memref<1x512x128xf32, #tpu.memory_space<vmem>>, vector<1x512x128xf32>
    %get3A_8 = vector.shape_cast %get3A_7 : vector<1x512x128xf32> to vector<512x128xf32>
    %add3A = arith.addf %get3A_3, %get3A_8 : vector<512x128xf32>
    %get3A_9 = arith.constant 0 : index
    %get3A_10 = arith.constant 0 : index
    %get3A_11 = vector.load %arg4[%get3A_9, %get3A_10] : memref<32x512xf32, #tpu.memory_space<vmem>>, vector<32x512xf32>
    %reduce_sum3A = arith.constant dense<0.000000e+00> : vector<512xf32>
    %reduce_sum3A_12 = vector.multi_reduction <add>, %get3A_11, %reduce_sum3A [0] : vector<32x512xf32> to vector<512xf32>
    %broadcast_in_dim3A = vector.shape_cast %reduce_sum3A_12 : vector<512xf32> to vector<512x1xf32>
    %eq3A = arith.constant 0.000000e+00 : f32
    %eq3A_13 = vector.broadcast %eq3A : f32 to vector<512x1xf32>
    %eq3A_14 = arith.cmpf oeq, %broadcast_in_dim3A, %eq3A_13 : vector<512x1xf32>
    %jit3A = arith.constant 1.000000e+00 : f32
    %broadcast_in_dim3A_15 = vector.broadcast %jit3A : f32 to vector<512x1xf32>
    %select_n3A = arith.select %eq3A_14, %broadcast_in_dim3A_15, %broadcast_in_dim3A : vector<512x1xi1>, vector<512x1xf32>
    %div3A = vector.broadcast %select_n3A : vector<512x1xf32> to vector<512x128xf32>
    %div3A_16 = arith.divf %add3A, %div3A : vector<512x128xf32>
    %get3A_17 = arith.constant 0 : index
    %get3A_18 = arith.constant 0 : index
    %get3A_19 = vector.load %arg1[%get3A_17, %get3A_18] : memref<512x128xf32, #tpu.memory_space<vmem>>, vector<512x128xf32>
    %get3A_20 = arith.constant 0 : index
    %get3A_21 = arith.constant 0 : index
    %get3A_22 = vector.load %arg5[%get3A_20, %get3A_21] : memref<128x128xf32, #tpu.memory_space<vmem>>, vector<128x128xf32>
    %dot_general3A = arith.constant dense<0.000000e+00> : vector<512x128xf32>
    %dot_general3A_23 = tpu.matmul %get3A_19, %get3A_22, %dot_general3A {dimension_numbers = #tpu.dot_dimension_numbers<[1], [0], [0], [1], [0, 0, 1, 1], [], []>, transpose_lhs_hint = false} : vector<512x128xf32>, vector<128x128xf32>, vector<512x128xf32> -> vector<512x128xf32>
    %get3A_24 = arith.constant 0 : index
    %get3A_25 = arith.constant 0 : index
    %get3A_26 = vector.load %arg6[%get3A_24, %get3A_25] : memref<128x128xf32, #tpu.memory_space<vmem>>, vector<128x128xf32>
    %dot_general3A_27 = arith.constant dense<0.000000e+00> : vector<512x128xf32>
    %dot_general3A_28 = tpu.matmul %div3A_16, %get3A_26, %dot_general3A_27 {dimension_numbers = #tpu.dot_dimension_numbers<[1], [0], [0], [1], [0, 0, 1, 1], [], []>, transpose_lhs_hint = false} : vector<512x128xf32>, vector<128x128xf32>, vector<512x128xf32> -> vector<512x128xf32>
    %add3A_29 = arith.addf %dot_general3A_23, %dot_general3A_28 : vector<512x128xf32>
    %get3A_30 = arith.constant 0 : index
    %get3A_31 = arith.constant 0 : index
    %get3A_32 = vector.load %arg7[%get3A_30, %get3A_31] : memref<1x128xf32, #tpu.memory_space<vmem>>, vector<1x128xf32>
    %add3A_33 = vector.broadcast %get3A_32 : vector<1x128xf32> to vector<512x128xf32>
    %add3A_34 = arith.addf %add3A_29, %add3A_33 : vector<512x128xf32>
    %logistic3A = arith.negf %add3A_34 : vector<512x128xf32>
    %logistic3A_35 = math.exp %logistic3A : vector<512x128xf32>
    %logistic3A_36 = arith.constant 1.000000e+00 : f32
    %logistic3A_37 = vector.broadcast %logistic3A_36 : f32 to vector<512x128xf32>
    %logistic3A_38 = arith.addf %logistic3A_37, %logistic3A_35 : vector<512x128xf32>
    %logistic3A_39 = arith.divf %logistic3A_37, %logistic3A_38 : vector<512x128xf32>
    %mul3A = arith.mulf %add3A_34, %logistic3A_39 : vector<512x128xf32>
    %get3A_40 = arith.constant 0 : index
    %get3A_41 = arith.constant 0 : index
    %get3A_42 = vector.load %arg8[%get3A_40, %get3A_41] : memref<128x128xf32, #tpu.memory_space<vmem>>, vector<128x128xf32>
    %dot_general3A_43 = arith.constant dense<0.000000e+00> : vector<512x128xf32>
    %dot_general3A_44 = tpu.matmul %mul3A, %get3A_42, %dot_general3A_43 {dimension_numbers = #tpu.dot_dimension_numbers<[1], [0], [0], [1], [0, 0, 1, 1], [], []>, transpose_lhs_hint = false} : vector<512x128xf32>, vector<128x128xf32>, vector<512x128xf32> -> vector<512x128xf32>
    %get3A_45 = arith.constant 0 : index
    %get3A_46 = arith.constant 0 : index
    %get3A_47 = vector.load %arg9[%get3A_45, %get3A_46] : memref<1x128xf32, #tpu.memory_space<vmem>>, vector<1x128xf32>
    %add3A_48 = vector.broadcast %get3A_47 : vector<1x128xf32> to vector<512x128xf32>
    %add3A_49 = arith.addf %dot_general3A_44, %add3A_48 : vector<512x128xf32>
    %swap3A = arith.constant 0 : index
    %swap3A_50 = arith.constant 0 : index
    %swap3A_51 = vector.load %arg10[%swap3A, %swap3A_50] : memref<512x128xf32, #tpu.memory_space<vmem>>, vector<512x128xf32>
    tpu.vector_store %arg10[%swap3A, %swap3A_50], %add3A_49 {strides = array<i32>} : memref<512x128xf32, #tpu.memory_space<vmem>>, vector<512x128xf32>,
    return
  }
  func.func @transform_0(%arg0: i32) -> (i32, i32) {
    %c0_i32 = arith.constant 0 : i32
    %c0_i32_0 = arith.constant 0 : i32
    return %arg0, %c0_i32 : i32, i32
  }
  func.func @transform_1(%arg0: i32) -> (i32, i32, i32) {
    %c0_i32 = arith.constant 0 : i32
    %c0_i32_0 = arith.constant 0 : i32
    %c0_i32_1 = arith.constant 0 : i32
    return %c0_i32, %arg0, %c0_i32_0 : i32, i32, i32
  }
  func.func @transform_2(%arg0: i32) -> (i32, i32, i32) {
    %c1_i32 = arith.constant 1 : i32
    %c0_i32 = arith.constant 0 : i32
    %c0_i32_0 = arith.constant 0 : i32
    return %c1_i32, %arg0, %c0_i32 : i32, i32, i32
  }
  func.func @transform_3(%arg0: i32) -> (i32, i32) {
    %c0_i32 = arith.constant 0 : i32
    %c0_i32_0 = arith.constant 0 : i32
    return %c0_i32, %arg0 : i32, i32
  }
  func.func @transform_4(%arg0: i32) -> (i32, i32) {
    %c0_i32 = arith.constant 0 : i32
    %c0_i32_0 = arith.constant 0 : i32
    %c0_i32_1 = arith.constant 0 : i32
    return %c0_i32, %c0_i32_0 : i32, i32
  }
  func.func @transform_5(%arg0: i32) -> (i32, i32) {
    %c0_i32 = arith.constant 0 : i32
    %c0_i32_0 = arith.constant 0 : i32
    %c0_i32_1 = arith.constant 0 : i32
    return %c0_i32, %c0_i32_0 : i32, i32
  }
  func.func @transform_6(%arg0: i32) -> (i32, i32) {
    %c0_i32 = arith.constant 0 : i32
    %c0_i32_0 = arith.constant 0 : i32
    %c0_i32_1 = arith.constant 0 : i32
    return %c0_i32, %c0_i32_0 : i32, i32
  }
  func.func @transform_7(%arg0: i32) -> (i32, i32) {
    %c0_i32 = arith.constant 0 : i32
    %c0_i32_0 = arith.constant 0 : i32
    %c0_i32_1 = arith.constant 0 : i32
    return %c0_i32, %c0_i32_0 : i32, i32
  }
  func.func @transform_8(%arg0: i32) -> (i32, i32) {
    %c0_i32 = arith.constant 0 : i32
    %c0_i32_0 = arith.constant 0 : i32
    %c0_i32_1 = arith.constant 0 : i32
    return %c0_i32, %c0_i32_0 : i32, i32
  }
  func.func @transform_9(%arg0: i32) -> (i32, i32) {
    %c0_i32 = arith.constant 0 : i32
    %c0_i32_0 = arith.constant 0 : i32
    return %arg0, %c0_i32 : i32, i32
  }
}

</mosaic_0001>

<sc_bundles>
// kernel: kernel.10.cloned.1.call-start
scs
__scs_entry_jumppad:
0x0: {  	(pc) =	sbr.rel $0x88, $3  }
0x1: {  	(tag) =	ssettag $0x0;
	lr =	simm.s32 $0x1  }
0x2: {  	[smem:$0x3F93] =	sst lr;
	_ =	strace $0xD0000000  }
0x3: {  	_ = 	snop  }
0x4: {  	_ = 	snop  }
0x5: {  	_ = 	snop  }
0x6: {  	_ = 	snop  }
0x7: {  	_ = 	snop  }
__scs_overlays_trampoline_lowered:
0x8: {  	[smem:$0x3FA2] =	sst s0  }
0x9: {  	[smem:$0x3FA3] =	sst s1  }
0xa: {  	[smem:$0x3FA4] =	sst s2  }
0xb: {  	[smem:$0x3FA5] =	sst s3  }
0xc: {  	[smem:$0x3FA6] =	sst s4  }
0xd: {  	[smem:$0x3FA7] =	sst s5  }
0xe: {  	[smem:$0x3FA8] =	sst s6  }
0xf: {  	[smem:$0x3FA9] =	sst s7  }
0x10: {  	[smem:$0x3FAA] =	sst s8  }
0x11: {  	[smem:$0x3FAB] =	sst s9;
	s0 =	simm.s32 @!p0 $0x0  }
0x12: {  	s1 =	sld [smem:$0x3F91];
	s0 =	simm.s32 @p0 $0x1  }
0x13: {  	[smem:$0x3FAC] =	sst s0;
	s0 =	simm.s32 @!p1 $0x0  }
0x14: {  	s2 =	sld [smem:$0x3F90];
	s0 =	simm.s32 @p1 $0x1  }
0x15: {  	[smem:$0x3FAD] =	sst s0;
	s0 =	simm.s32 @!p2 $0x0  }
0x16: {  	s3 =	sld [smem:$0x3FDB];
	s0 =	simm.s32 @p2 $0x1  }
0x17: {  	s4 =	simm.s32 $0x1BF5;
	[smem:$0x3FAF] =	sst s0  }
0x18: {  	s0 =	sld [smem:$0x3F92];
	_ =	swait.ge [sflag:s4], $0x0  }
0x19: {  	s7 =	sld [smem:$0x3F93]  }
0x1a: {  	s8 =	sadd.s32 $0xFFFFE003, lr  }
0x1b: {  	s9 =	sadd.s32 $0xFFFFFEF7, lr;
	s5 =	simm.s32 $0xFFFFFFFF;
	p2 =	slt.u32 s8, $0xFFFFF086  }
0x1c: {  	p1 =	slt.u32 s9, $0xF7A;
	s5 =	simm.s32 @!p2 $0x0  }
0x1d: {  	s5 =	simm.s32 @p1 $0x1;
	p0 =	seq.s32 s7, s2  }
0x1e: {  	s7 =	smul.u32 @!p0 $0xF7A, s2;
	p2 =	seq.s32 @!p0 s5, $0x0  }
0x1f: {  	s9 =	smul.u32 $0xF7A, s1;
	s8 =	simm.s32 @!p0 $0x1BF5;
	p2 =	por !p2, p0  }
0x20: {  	[sflag:s8] =	ssyncset.s32 @!p0 $0xFFFFF086;
	s6 =	sadd.s32 @!p0 s3, s7;
	s7 =	simm.s32 @!p0 $0x108  }
0x21: {  	s3 =	sadd.s32 s3, s9;
	s6 =	sadd.s32 @!p0 $0x88, s6;
	s7 =	simm.s32 @p2 $0x1082  }
0x22: {  	[simem:s7], [sflag:s8] =	dma.local @!p0 [hbm:s6], $0xF7A  }
0x23: {  	s9 =	sor.u32 $0xD0000000, s2;
	s6 =	simm.s32 $0x108;
	_ =	swait.ge @!p0 [sflag:s8], $0x0  }
0x24: {  	s3 =	sadd.s32 $0x88, s3;
	s6 =	simm.s32 @!p1 $0x1082;
	[sflag:s4] =	ssyncset.s32 $0xFFFFF086  }
0x25: {  	[simem:s6], [sflag:s4] =	dma.local [hbm:s3], $0xF7A  }
0x26: {  	[smem:$0x3F93] =	sst s1;
	(tag) =	ssettag s2;
	_ =	strace s9  }
0x27: {  	s1 =	sld [smem:$0x3FA3]  }
0x28: {  	s2 =	sld [smem:$0x3FA4]  }
0x29: {  	s4 =	sld [smem:$0x3FA6]  }
0x2a: {  	p0 =	seq.s32 s5, $0x0;
	s5 =	sld [smem:$0x3FA7]  }
0x2b: {  	s6 =	sld [smem:$0x3FA8]  }
0x2c: {  	s7 =	sld [smem:$0x3FA9]  }
0x2d: {  	s3 =	simm.s32 $0x108;
	s8 =	sld [smem:$0x3FAA]  }
0x2e: {  	s3 =	simm.s32 @!p0 $0x1082;
	s9 =	sld [smem:$0x3FAB]  }
0x2f: {  	lr =	sadd.s32 s0, s3;
	s0 =	sld [smem:$0x3FA2]  }
0x30: {  	s3 =	sld [smem:$0x3FA5]  }
0x31: {  	[smem:$0x3FAE] =	sst s10  }
0x32: {  	s10 =	sld [smem:$0x3FAC];
	_ =	sdelay $0x3  }
0x33: {  	p0 =	seq.s32 s10, $0x1;
	s10 =	sld [smem:$0x3FAE];
	_ =	sdelay $0x3  }
0x34: {  	[smem:$0x3FAE] =	sst s10  }
0x35: {  	s10 =	sld [smem:$0x3FAD];
	_ =	sdelay $0x3  }
0x36: {  	p1 =	seq.s32 s10, $0x1;
	s10 =	sld [smem:$0x3FAE];
	_ =	sdelay $0x3  }
0x37: {  	[smem:$0x3FAE] =	sst s10  }
0x38: {  	s10 =	sld [smem:$0x3FAF]  }
0x39: {  	_ = 	snop;
	(pc) =	sbr.ind lr, $3  }
0x3a: {  	_ = 	snop  }
0x3b: {  	_ = 	snop  }
0x3c: {  	p2 =	seq.s32 s10, $0x1;
	s10 =	sld [smem:$0x3FAE]  }
0x3d: {  	_ =	shalt  }
0x3e: {  	_ =	shalt  }
0x3f: {  	_ =	shalt  }
0x40: {  	_ =	shalt  }
0x41: {  	_ =	shalt  }
0x42: {  	_ =	shalt  }
0x43: {  	_ =	shalt  }
0x44: {  	_ =	shalt  }
0x45: {  	_ =	shalt  }
0x46: {  	_ =	shalt  }
0x47: {  	_ =	shalt  }
0x48: {  	_ =	shalt  }
0x49: {  	_ =	shalt  }
0x4a: {  	_ =	shalt  }
0x4b: {  	_ =	shalt  }
0x4c: {  	_ =	shalt  }
0x4d: {  	_ =	shalt  }
0x4e: {  	_ =	shalt  }
0x4f: {  	_ =	shalt  }
0x50: {  	_ =	shalt  }
0x51: {  	_ =	shalt  }
0x52: {  	_ =	shalt  }
0x53: {  	_ =	shalt  }
0x54: {  	_ =	shalt  }
0x55: {  	_ =	shalt  }
0x56: {  	_ =	shalt  }
0x57: {  	_ =	shalt  }
0x58: {  	_ =	shalt  }
0x59: {  	_ =	shalt  }
0x5a: {  	_ =	shalt  }
0x5b: {  	_ =	shalt  }
0x5c: {  	_ =	shalt  }
0x5d: {  	_ =	shalt  }
0x5e: {  	_ =	shalt  }
0x5f: {  	_ =	shalt  }
0x60: {  	_ =	shalt  }
0x61: {  	_ =	shalt  }
0x62: {  	_ =	shalt  }
0x63: {  	_ =	shalt  }
0x64: {  	_ =	shalt  }
0x65: {  	_ =	shalt  }
0x66: {  	_ =	shalt  }
0x67: {  	_ =	shalt  }
0x68: {  	_ =	shalt  }
0x69: {  	_ =	shalt  }
0x6a: {  	_ =	shalt  }
0x6b: {  	_ =	shalt  }
0x6c: {  	_ =	shalt  }
0x6d: {  	_ =	shalt  }
0x6e: {  	_ =	shalt  }
0x6f: {  	_ =	shalt  }
0x70: {  	_ =	shalt  }
0x71: {  	_ =	shalt  }
0x72: {  	_ =	shalt  }
0x73: {  	_ =	shalt  }
0x74: {  	_ =	shalt  }
0x75: {  	_ =	shalt  }
0x76: {  	_ =	shalt  }
0x77: {  	_ =	shalt  }
0x78: {  	_ =	shalt  }
0x79: {  	_ =	shalt  }
0x7a: {  	_ =	shalt  }
0x7b: {  	_ =	shalt  }
0x7c: {  	_ =	shalt  }
0x7d: {  	_ =	shalt  }
0x7e: {  	_ =	shalt  }
0x7f: {  	_ =	shalt  }
0x80: {  	_ =	shalt  }
0x81: {  	_ =	shalt  }
0x82: {  	_ =	shalt  }
0x83: {  	_ =	shalt  }
0x84: {  	_ =	shalt  }
0x85: {  	_ =	shalt  }
0x86: {  	_ =	shalt  }
0x87: {  	_ =	shalt  }
.Lfunc_end0:
.L_simem_size_0:
called_computation.1_lowered:
.L_overlay_start_0:
0x88: {  	s2 =	sld [smem:$0x3FD9]  }
0x89: {  	s3 =	sld [smem:$0x3FFE];
	_ =	sdelay $0x1  }
0x8a: {  	s1 =	srdreg.scid  }
0x8b: {  	s0 =	sand.u32 $0x1, s1  }
0x8c: {  	s17 =	sshll.u32 s0, $0xA;
	s2 =	sadd.s32 s3, s2  }
0x8d: {  	s2 =	sadd.s32 s2, s17  }
0x8e: {  	[smem:$0x3FBA] =	sst s2  }
0x8f: {  	_ = 	snop  }
0x90: {  	s2 =	sld [smem:$0x3FD0];
	(tm) =	ssettm $0x1  }
0x91: {  	s18 =	sld [smem:$0x3FFB];
	_ =	sdelay $0x3  }
0x92: {  	_ =	strace s18  }
0x93: {  	s3 =	sld [smem:$0x3FFC];
	_ =	sdelay $0x3  }
0x94: {  	_ =	strace s3  }
0x95: {  	s3 =	sld [smem:$0x3FFD];
	_ =	sdelay $0x3  }
0x96: {  	_ =	strace s3  }
0x97: {  	_ =	strace $0x8FFFFFFF  }
0x98: {  	s19 =	sld [smem:$0x3FDB];
	_ =	sdelay $0x1  }
0x99: {  	s4 =	simm.s32 $_scs_section_size  }
0x9a: {  	s5 =	simm.s32 $_size__tile_overlayer_lowered;
	s6 =	simm.s32 $_tile_overlayer_lowered  }
0x9b: {  	s22 =	simm.s32 $0x1BFF;
	s21 =	sshll.u32 s6, $0x1;
	s3 =	sadd.s32 s4, s19  }
0x9c: {  	s7 =	simm.s32 $0x0;
	s20 =	sshll.u32 s5, $0x1;
	s5 =	sadd.s32 s21, s3  }
0x9d: {  	[timem:s7], [sflag:s22] =	dma.local [hbm:s5], s20  }
0x9e: {  	_ =	swait.ge [sflag:s22], s20  }
0x9f: {  	s4 =	ssub.s32 $0x0, s20;
	[sflag:s22] =	ssyncset.done $0x0  }
0xa0: {  	[sflag:s22] =	ssyncadd.s32 s4;
	_ =	sdelay $0x1  }
0xa1: {  	s23 =	simm.s32 $0x1B8B  }
0xa2: {  	_ =	swait.ge [sflag:s23], $0x1  }
0xa3: {  	[sflag:s23] =	ssyncset.done $0x0  }
0xa4: {  	s25 =	simm.s32 $0x1B8E;
	s24 =	sld [smem:$0x3FFE];
	[sflag:s23] =	ssyncadd.s32 $0xFFFFFFFF  }
0xa5: {  	s26 =	simm.s32 $execute0_lowered;
	[smem:$0x3FD2] =	sst s25  }
0xa6: {  	s5 =	sshll.u32 s26, $0x1;
	_ =	strace $0x80000049;
	[dreg:$0x1] =	wrdreg $0xFFFFFFFF  }
0xa7: {  	s28 =	simm.s32 $_size_execute0_lowered;
	s3 =	sadd.s32 s3, s5;
	[dreg:$0x0] =	wrdreg $0x0  }
0xa8: {  	s5 =	sshll.u32 s28, $0x1;
	[dreg:$0x2] =	wrdreg s3  }
0xa9: {  	[dreg:$0x3] =	wrdreg s5  }
0xaa: {  	[dreg:$0x4] =	wrdreg $0xC0  }
0xab: {  	_ =	task [dreg:s7], $0x5FFFF  }
0xac: {  	[dreg:$0x1] =	wrdreg $0xFFFFFFFF  }
0xad: {  	[dreg:$0x0] =	wrdreg $0x60  }
0xae: {  	[dreg:$0x2] =	wrdreg s24  }
0xaf: {  	[dreg:$0x3] =	wrdreg s2  }
0xb0: {  	[dreg:$0x4] =	wrdreg $0x0  }
0xb1: {  	[dreg:$0x5] =	wrdreg $0x9  }
0xb2: {  	_ =	task.clear_ibuf [dreg:s7], $0x6FFFF;
	_ =	strace $0x90000049  }
0xb3: {  	s29 =	simm.s32 $0x9;
	_ =	strace $0x8000004B  }
0xb4: {  	_ =	swait.ge [sflag:s29], $0x1  }
0xb5: {  	[sflag:s29] =	ssyncadd.s32 $0xFFFFFFFF  }
0xb6: {  	_ =	strace $0x9000004B  }
0xb7: {  	_ =	sfence  }
0xb8: {  	s30 =	sld [smem:$0x0];
	_ =	sdelay $0x2  }
0xb9: {  	s31 =	sshll.u32 s1, $0xD;
	s1 =	sshrl.u32 s1, $0x2  }
0xba: {  	s3 =	sand.u32 $0x4000, s31;
	s1 =	sadd.s32 s1, s30  }
0xbb: {  	s0 =	sor.u32 s3, s0;
	s1 =	sshll.u32 s1, $0x11  }
0xbc: {  	s0 =	sor.u32 s1, s0  }
0xbd: {  	s0 =	sadd.s32 $0x8F2B, s0  }
0xbe: {  	[sflag:s0] =	ssyncadd.remote.s32 $0x1  }
0xbf: {  	_ =	sfence.sel $0xFFFF  }
0xc0: {  	[dreg:$0x0] =	wrdreg $0xFFFFFFFF;
	(pc) =	sbr.abs _section_cstart, $3  }
0xc1: {  	[dreg:$0x1] =	wrdreg $0xFFFFFFFF  }
0xc2: {  	_ =	task.clear_ibuf [dreg:s7], $0x2FFFF;
	_ =	strace $0x9FFFFFFF  }
0xc3: {  	(tm) =	ssettm $0x7FFFFFFF  }
tec
execute0_lowered:
.L_overlay_start_1:
0x0: {  	(tag) =	ssettag $0x1  }
0x1: {  	s5 =	rddreg [dreg:$0x0]  }
0x2: {  	s8 =	rddreg [dreg:$0x1]  }
0x3: {  	s0 =	srdreg.scid;
	s2 =	rddreg [dreg:$0x2]  }
0x4: {  	s1 =	rddreg [dreg:$0x3];
	s6 =	sand.u32 $0x1, s0  }
0x5: {  	s0 =	stileid.u32;
	s4 =	smul.u32 $0x27100, s6  }
0x6: {  	s3 =	simm.s32 $0x0;
	s16 =	simm.s32 $0x19000;
	s7 =	smul.u32 $0x2710, s0  }
0x7: {  	s17 =	simm.s32 $0x14000;
	s18 =	simm.s32 $0x16800;
	s9 =	smul.u32 $0x271000, s6  }
0x8: {  	s19 =	simm.s32 $0x50;
	[smem:$0x7FF] =	sst s3;
	s23 =	smul.u32 $0x14000, s0  }
0x9: {  	s20 =	simm.s32 $0x0;
	_ =	strace $0x8000004A;
	s10 =	smul.u32 $0x140000, s6  }
0xa: {  	s25 =	ssub.s32 $0x2, s6;
	s6 =	sshll.u32 s6, $0x4;
	s14 =	smul.u32 $0x50000, s0  }
0xb: {  	s29 =	sshll.u32 s0, $0x6;
	s30 =	smul.u32 $0x27100, s0;
	s13 =	sshrl.u32 s25, $0x1  }
0xc: {  	s6 =	sor.u32 s0, s6;
	s4 =	sadd.s32 s7, s4;
	s9 =	sadd.s32 s9, s5  }
0xd: {  	s24 =	sshrl.u32 s23, $0x3;
	s7 =	sadd.s32 s23, s10;
	s10 =	ssub.s32 s25, s13  }
0xe: {  	s26 =	smul.u32 $0x500, s6;
	s28 =	sshrl.u32 s14, $0x2;
	s6 =	sor.u32 $0x1C01, s29  }
0xf: {  	s14 =	simm.s32 $0x1;
	s4 =	sshrl.u32 s4, $0x3;
	s11 =	sadd.s32 s24, s5  }
0x10: {  	v0 =	vlaneseq.u32;
	s7 =	sshrl.u32 s7, $0x3;
	s15 =	sadd.s32 s28, s2;
	s31 =	sadd.s32 s30, s9  }
0x11: {  	v1 =	vmul.u32 $0x80, v0;
	v2 =	vor.u32 $0x10, v0;
	s9 =	smax.u32 s10, $0x1;
	s12 =	sadd.s32 s4, s5;
	s4 =	sadd.s32 $0x3C00, s5  }
0x12: {  	v4 =	vor.u32 $0x20, v0;
	v6 =	vor.u32 $0x30, v0;
	v8 =	vor.u32 $0x40, v0;
	s7 =	sadd.s32 s7, s5;
	s5 =	sadd.s32 $0x13C7C00, s11;
	s8 =	sadd.s32 s8, s26  }
0x13: {  	v3 =	vor.u32 $0x800, v1;
	v5 =	vor.u32 $0x1000, v1;
	s10 =	sadd.s32 $0xEE5C00, s31;
	s11 =	sadd.s32 $0x18A9C00, s31;
	s13 =	sshrl.u32 s15, $0x3  }
0x14: {  	v7 =	vor.u32 $0x1800, v1;
	v9 =	vor.u32 $0x2000, v1;
	s15 =	simm.s32 $0x19080;
	s7 =	sadd.s32 $0x13EFC00, s7;
	s12 =	sadd.s32 $0xDA00, s12  }
.LBB2_1:
0x15: {  	[spmem:s13], [sflag:s6] =	dma.local [hbm:s5], $0x2800  }
0x16: {  	_ =	swait.ge [sflag:s14], $0x2800  }
0x17: {  	[sflag:s14] =	ssyncset.done $0x0  }
0x18: {  	[sflag:s14] =	ssyncadd.s32 $0xFFFFD800  }
0x19: {  	[tilespmem:s15], [sflag:$0x1] =	stream.linear.gather [hbm4b:s4+s3], $0x2800, $0x38;
	[tilespmem:$0x1B880] =	vst v63  }
0x1a: {  	_ =	swait.ge [sflag:s14], $0x2800  }
0x1b: {  	[sflag:s14] =	ssyncset.done $0x0  }
0x1c: {  	[sflag:s14] =	ssyncadd.s32 $0xFFFFD800  }
0x1d: {  	[bflag:$0x0] =	sbarrier.arrive $0xFFFF  }
0x1e: {  	[tilespmem:s16], [sflag:$0x1] =	stream.linear.gather [hbm4b:s12+s3], $0x50, $0x38;
	[tilespmem:$0x1B880] =	vst v63  }
0x1f: {  	_ =	swait.ge [sflag:s14], $0x50  }
0x20: {  	[sflag:s14] =	ssyncset.done $0x0  }
0x21: {  	s21 =	sadd.s32 $0x0, s10;
	[sflag:s14] =	ssyncadd.s32 $0xFFFFFFB0  }
0x22: {  	[tilespmem:s17], [sflag:$0x1] =	stream.linear.gather [hbm4b:s21+s3], $0x2800, $0x38;
	[tilespmem:$0x1B880] =	vst v63  }
0x23: {  	_ =	swait.ge [sflag:s14], $0x2800  }
0x24: {  	[sflag:s14] =	ssyncset.done $0x0  }
0x25: {  	s31 =	sadd.s32 $0x0, s11;
	[sflag:s14] =	ssyncadd.s32 $0xFFFFD800  }
0x26: {  	[tilespmem:s18], [sflag:$0x1] =	stream.linear.gather [hbm4b:s31+s3], $0x2800, $0x38;
	[tilespmem:$0x1B880] =	vst v63  }
0x27: {  	_ =	swait.ge [sflag:s14], $0x2800  }
0x28: {  	[sflag:s14] =	ssyncset.done $0x0  }
0x29: {  	[sflag:s14] =	ssyncadd.s32 $0xFFFFD800  }
0x2a: {  	[spmem:s2] =	stream.indirect.scatter.add.f32 [tilespmem:s17], [sflag:$0x1], $0x80, s16, s19, $0xb8;
	[tilespmem:$0x1B880] =	vst v63  }
0x2b: {  	_ =	swait.ge [sflag:s14], $0x2800  }
0x2c: {  	[sflag:s14] =	ssyncset.done $0x0  }
0x2d: {  	[sflag:s14] =	ssyncadd.s32 $0xFFFFD800  }
0x2e: {  	v10 =	vld.idx.msk [tilespmem:v0+s16+$0x0], $0xffff;
	_ =	sdelay $0x2  }
0x2f: {  	v11 =	vld.idx.msk [tilespmem:v1+s18+$0x0], $0xffff;
	_ =	sdelay $0x4  }
0x30: {  	[tilespmem:v10+s15+$0x0] =	vst.idx.add.f32.msk $0xffff, v11  }
0x31: {  	v10 =	vld.idx.msk [tilespmem:v2+s16+$0x0], $0xffff;
	_ =	sdelay $0x2  }
0x32: {  	v11 =	vld.idx.msk [tilespmem:v3+s18+$0x0], $0xffff;
	_ =	sdelay $0x4  }
0x33: {  	[tilespmem:v10+s15+$0x0] =	vst.idx.add.f32.msk $0xffff, v11  }
0x34: {  	v10 =	vld.idx.msk [tilespmem:v4+s16+$0x0], $0xffff;
	_ =	sdelay $0x2  }
0x35: {  	v11 =	vld.idx.msk [tilespmem:v5+s18+$0x0], $0xffff;
	_ =	sdelay $0x4  }
0x36: {  	[tilespmem:v10+s15+$0x0] =	vst.idx.add.f32.msk $0xffff, v11  }
0x37: {  	v10 =	vld.idx.msk [tilespmem:v6+s16+$0x0], $0xffff;
	_ =	sdelay $0x2  }
0x38: {  	v11 =	vld.idx.msk [tilespmem:v7+s18+$0x0], $0xffff;
	_ =	sdelay $0x4  }
0x39: {  	[tilespmem:v10+s15+$0x0] =	vst.idx.add.f32.msk $0xffff, v11  }
0x3a: {  	v10 =	vld.idx.msk [tilespmem:v8+s16+$0x0], $0xffff  }
0x3b: {  	s22 =	smov.u32 s12;
	s21 =	simm.s32 $0x500;
	v11 =	vld.idx.msk [tilespmem:v9+s18+$0x0], $0xffff  }
.LBB2_2:
0x3c: {  	_ =	sdelay $0x4  }
0x3d: {  	p0 =	sne.s32 s21, $0x26C00  }
0x3e: {  	s22 =	sadd.s32 $0xA, s22;
	s23 =	smov.u32 s21;
	s21 =	sadd.s32 $0x500, s21;
	[tilespmem:v10+s15+$0x0] =	vst.idx.add.f32.msk $0xffff, v11  }
0x3f: {  	[tilespmem:s16], [sflag:$0x1] =	stream.linear.gather [hbm4b:s22+s3], $0x50, $0x38;
	[tilespmem:$0x1B880] =	vst v63  }
0x40: {  	_ =	swait.ge [sflag:s14], $0x50  }
0x41: {  	[sflag:s14] =	ssyncset.done $0x0  }
0x42: {  	s24 =	sadd.s32 s23, s10;
	[sflag:s14] =	ssyncadd.s32 $0xFFFFFFB0  }
0x43: {  	[tilespmem:s17], [sflag:$0x1] =	stream.linear.gather [hbm4b:s24+s3], $0x2800, $0x38;
	[tilespmem:$0x1B880] =	vst v63  }
0x44: {  	_ =	swait.ge [sflag:s14], $0x2800  }
0x45: {  	[sflag:s14] =	ssyncset.done $0x0  }
0x46: {  	s23 =	sadd.s32 s23, s11;
	[sflag:s14] =	ssyncadd.s32 $0xFFFFD800  }
0x47: {  	[tilespmem:s18], [sflag:$0x1] =	stream.linear.gather [hbm4b:s23+s3], $0x2800, $0x38;
	[tilespmem:$0x1B880] =	vst v63  }
0x48: {  	_ =	swait.ge [sflag:s14], $0x2800  }
0x49: {  	[sflag:s14] =	ssyncset.done $0x0  }
0x4a: {  	[sflag:s14] =	ssyncadd.s32 $0xFFFFD800  }
0x4b: {  	[spmem:s2] =	stream.indirect.scatter.add.f32 [tilespmem:s17], [sflag:$0x1], $0x80, s16, s19, $0xb8;
	[tilespmem:$0x1B880] =	vst v63  }
0x4c: {  	_ =	swait.ge [sflag:s14], $0x2800  }
0x4d: {  	[sflag:s14] =	ssyncset.done $0x0  }
0x4e: {  	[sflag:s14] =	ssyncadd.s32 $0xFFFFD800  }
0x4f: {  	v10 =	vld.idx.msk [tilespmem:v0+s16+$0x0], $0xffff;
	_ =	sdelay $0x1  }
0x50: {  	v11 =	vld.idx.msk [tilespmem:v1+s18+$0x0], $0xffff;
	_ =	sdelay $0x5  }
0x51: {  	[tilespmem:v10+s15+$0x0] =	vst.idx.add.f32.msk $0xffff, v11  }
0x52: {  	v10 =	vld.idx.msk [tilespmem:v2+s16+$0x0], $0xffff;
	_ =	sdelay $0x1  }
0x53: {  	v11 =	vld.idx.msk [tilespmem:v3+s18+$0x0], $0xffff;
	_ =	sdelay $0x5  }
0x54: {  	[tilespmem:v10+s15+$0x0] =	vst.idx.add.f32.msk $0xffff, v11  }
0x55: {  	v10 =	vld.idx.msk [tilespmem:v4+s16+$0x0], $0xffff  }
0x56: {  	v11 =	vld.idx.msk [tilespmem:v5+s18+$0x0], $0xffff;
	_ =	sdelay $0x6  }
0x57: {  	[tilespmem:v10+s15+$0x0] =	vst.idx.add.f32.msk $0xffff, v11  }
0x58: {  	v10 =	vld.idx.msk [tilespmem:v6+s16+$0x0], $0xffff  }
0x59: {  	v11 =	vld.idx.msk [tilespmem:v7+s18+$0x0], $0xffff;
	_ =	sdelay $0x4  }
.Ltmp0:
0x5a: {  	(pc) =	sbr.rel @p0 .LBB2_2-.Ltmp0, $4  }
0x5b: {  	_ = 	snop  }
0x5c: {  	[tilespmem:v10+s15+$0x0] =	vst.idx.add.f32.msk $0xffff, v11  }
0x5d: {  	v10 =	vld.idx.msk [tilespmem:v8+s16+$0x0], $0xffff  }
0x5e: {  	v11 =	vld.idx.msk [tilespmem:v9+s18+$0x0], $0xffff  }
0x5f: {  	_ =	sdelay $0x6  }
0x60: {  	[tilespmem:v10+s15+$0x0] =	vst.idx.add.f32.msk $0xffff, v11  }
0x61: {  	[bflag:$0x0] =	sbarrier.arrive $0xFFFF  }
0x62: {  	[hbm:s7], [sflag:s6] =	dma.local [spmem:s13], $0x2800  }
0x63: {  	s20 =	sadd.s32 $0x1, s20;
	_ =	swait.ge [sflag:s14], $0x2800  }
0x64: {  	p0 =	sne.s32 s20, s9;
	[sflag:s14] =	ssyncset.done $0x0  }
.Ltmp1:
0x65: {  	[sflag:s14] =	ssyncadd.s32 $0xFFFFD800;
	(pc) =	sbr.rel @p0 .LBB2_1-.Ltmp1, $4  }
0x66: {  	[hbm4b:s8+s3] =	stream.linear.scatter [tilespmem:s15], [sflag:$0x1], $0x2800, $0x38;
	[tilespmem:$0x1B880] =	vst v63  }
0x67: {  	_ =	swait.ge [sflag:s14], $0x2800  }
0x68: {  	[sflag:s14] =	ssyncset.done $0x0  }
0x69: {  	[sflag:s14] =	ssyncadd.s32 $0xFFFFD800  }
0x6a: {  	_ =	sfence.sel $0x180000  }
0x6b: {  	[bflag:$0x0] =	sbarrier.arrive $0xFFFF  }
0x6c: {  	p0 =	sne.s32 s0, $0x0;
	_ =	strace $0x9000004A  }
0x6d: {  	s0 =	sadd.s32 @!p0 $0x100000, s1;
	[bflag:$0x2] =	sbarrier.arrive $0xFFFF  }
0x6e: {  	[sflag:s0] =	ssyncadd.tile.s32 @!p0 $0x1;
	_ =	shalt  }
.Lfunc_end2:
_tile_overlayer_lowered:
.L_overlay_start_2:
0x6f: {  	(tag) =	ssettag $0x2  }
0x70: {  	s0 =	rddreg [dreg:$0x0];
	s2 =	stileid.u32  }
0x71: {  	s1 =	rddreg [dreg:$0x1];
	p0 =	sne.s32 s2, $0x0  }
0x72: {  	s3 =	rddreg [dreg:$0x2];
	[bflag:$0x3] =	sbarrier.arrive $0xFFFF;
	s2 =	simm.s32 @!p0 $0x1C01  }
0x73: {  	[timem:s3], [sflag:s2] =	dma.local @!p0 [hbm:s0], s1  }
0x74: {  	s0 =	simm.s32 @!p0 $0x1  }
0x75: {  	_ =	swait.ge @!p0 [sflag:s0], s1  }
0x76: {  	s1 =	ssub.s32 @!p0 $0x0, s1;
	[sflag:s0] =	ssyncset.done @!p0 $0x0  }
0x77: {  	[sflag:s0] =	ssyncadd.s32 @!p0 s1  }
0x78: {  	[bflag:$0x3] =	sbarrier.arrive $0xFFFF  }
0x79: {  	_ =	shalt  }

// kernel: kernel.7.cloned.1.call-start
scs
__scs_entry_jumppad:
0x0: {  	(pc) =	sbr.rel $0x88, $3  }
0x1: {  	(tag) =	ssettag $0x0;
	lr =	simm.s32 $0x1  }
0x2: {  	[smem:$0x3F93] =	sst lr;
	_ =	strace $0xD0000000  }
0x3: {  	_ = 	snop  }
0x4: {  	_ = 	snop  }
0x5: {  	_ = 	snop  }
0x6: {  	_ = 	snop  }
0x7: {  	_ = 	snop  }
__scs_overlays_trampoline_lowered:
0x8: {  	[smem:$0x3FA2] =	sst s0  }
0x9: {  	[smem:$0x3FA3] =	sst s1  }
0xa: {  	[smem:$0x3FA4] =	sst s2  }
0xb: {  	[smem:$0x3FA5] =	sst s3  }
0xc: {  	[smem:$0x3FA6] =	sst s4  }
0xd: {  	[smem:$0x3FA7] =	sst s5  }
0xe: {  	[smem:$0x3FA8] =	sst s6  }
0xf: {  	[smem:$0x3FA9] =	sst s7  }
0x10: {  	[smem:$0x3FAA] =	sst s8  }
0x11: {  	[smem:$0x3FAB] =	sst s9;
	s0 =	simm.s32 @!p0 $0x0  }
0x12: {  	s1 =	sld [smem:$0x3F91];
	s0 =	simm.s32 @p0 $0x1  }
0x13: {  	[smem:$0x3FAC] =	sst s0;
	s0 =	simm.s32 @!p1 $0x0  }
0x14: {  	s2 =	sld [smem:$0x3F90];
	s0 =	simm.s32 @p1 $0x1  }
0x15: {  	[smem:$0x3FAD] =	sst s0;
	s0 =	simm.s32 @!p2 $0x0  }
0x16: {  	s3 =	sld [smem:$0x3FDB];
	s0 =	simm.s32 @p2 $0x1  }
0x17: {  	s4 =	simm.s32 $0x1BF5;
	[smem:$0x3FAF] =	sst s0  }
0x18: {  	s0 =	sld [smem:$0x3F92];
	_ =	swait.ge [sflag:s4], $0x0  }
0x19: {  	s7 =	sld [smem:$0x3F93]  }
0x1a: {  	s8 =	sadd.s32 $0xFFFFE003, lr  }
0x1b: {  	s9 =	sadd.s32 $0xFFFFFEF7, lr;
	s5 =	simm.s32 $0xFFFFFFFF;
	p2 =	slt.u32 s8, $0xFFFFF086  }
0x1c: {  	p1 =	slt.u32 s9, $0xF7A;
	s5 =	simm.s32 @!p2 $0x0  }
0x1d: {  	s5 =	simm.s32 @p1 $0x1;
	p0 =	seq.s32 s7, s2  }
0x1e: {  	s7 =	smul.u32 @!p0 $0xF7A, s2;
	p2 =	seq.s32 @!p0 s5, $0x0  }
0x1f: {  	s9 =	smul.u32 $0xF7A, s1;
	s8 =	simm.s32 @!p0 $0x1BF5;
	p2 =	por !p2, p0  }
0x20: {  	[sflag:s8] =	ssyncset.s32 @!p0 $0xFFFFF086;
	s6 =	sadd.s32 @!p0 s3, s7;
	s7 =	simm.s32 @!p0 $0x108  }
0x21: {  	s3 =	sadd.s32 s3, s9;
	s6 =	sadd.s32 @!p0 $0x88, s6;
	s7 =	simm.s32 @p2 $0x1082  }
0x22: {  	[simem:s7], [sflag:s8] =	dma.local @!p0 [hbm:s6], $0xF7A  }
0x23: {  	s9 =	sor.u32 $0xD0000000, s2;
	s6 =	simm.s32 $0x108;
	_ =	swait.ge @!p0 [sflag:s8], $0x0  }
0x24: {  	s3 =	sadd.s32 $0x88, s3;
	s6 =	simm.s32 @!p1 $0x1082;
	[sflag:s4] =	ssyncset.s32 $0xFFFFF086  }
0x25: {  	[simem:s6], [sflag:s4] =	dma.local [hbm:s3], $0xF7A  }
0x26: {  	[smem:$0x3F93] =	sst s1;
	(tag) =	ssettag s2;
	_ =	strace s9  }
0x27: {  	s1 =	sld [smem:$0x3FA3]  }
0x28: {  	s2 =	sld [smem:$0x3FA4]  }
0x29: {  	s4 =	sld [smem:$0x3FA6]  }
0x2a: {  	p0 =	seq.s32 s5, $0x0;
	s5 =	sld [smem:$0x3FA7]  }
0x2b: {  	s6 =	sld [smem:$0x3FA8]  }
0x2c: {  	s7 =	sld [smem:$0x3FA9]  }
0x2d: {  	s3 =	simm.s32 $0x108;
	s8 =	sld [smem:$0x3FAA]  }
0x2e: {  	s3 =	simm.s32 @!p0 $0x1082;
	s9 =	sld [smem:$0x3FAB]  }
0x2f: {  	lr =	sadd.s32 s0, s3;
	s0 =	sld [smem:$0x3FA2]  }
0x30: {  	s3 =	sld [smem:$0x3FA5]  }
0x31: {  	[smem:$0x3FAE] =	sst s10  }
0x32: {  	s10 =	sld [smem:$0x3FAC];
	_ =	sdelay $0x3  }
0x33: {  	p0 =	seq.s32 s10, $0x1;
	s10 =	sld [smem:$0x3FAE];
	_ =	sdelay $0x3  }
0x34: {  	[smem:$0x3FAE] =	sst s10  }
0x35: {  	s10 =	sld [smem:$0x3FAD];
	_ =	sdelay $0x3  }
0x36: {  	p1 =	seq.s32 s10, $0x1;
	s10 =	sld [smem:$0x3FAE];
	_ =	sdelay $0x3  }
0x37: {  	[smem:$0x3FAE] =	sst s10  }
0x38: {  	s10 =	sld [smem:$0x3FAF]  }
0x39: {  	_ = 	snop;
	(pc) =	sbr.ind lr, $3  }
0x3a: {  	_ = 	snop  }
0x3b: {  	_ = 	snop  }
0x3c: {  	p2 =	seq.s32 s10, $0x1;
	s10 =	sld [smem:$0x3FAE]  }
0x3d: {  	_ =	shalt  }
0x3e: {  	_ =	shalt  }
0x3f: {  	_ =	shalt  }
0x40: {  	_ =	shalt  }
0x41: {  	_ =	shalt  }
0x42: {  	_ =	shalt  }
0x43: {  	_ =	shalt  }
0x44: {  	_ =	shalt  }
0x45: {  	_ =	shalt  }
0x46: {  	_ =	shalt  }
0x47: {  	_ =	shalt  }
0x48: {  	_ =	shalt  }
0x49: {  	_ =	shalt  }
0x4a: {  	_ =	shalt  }
0x4b: {  	_ =	shalt  }
0x4c: {  	_ =	shalt  }
0x4d: {  	_ =	shalt  }
0x4e: {  	_ =	shalt  }
0x4f: {  	_ =	shalt  }
0x50: {  	_ =	shalt  }
0x51: {  	_ =	shalt  }
0x52: {  	_ =	shalt  }
0x53: {  	_ =	shalt  }
0x54: {  	_ =	shalt  }
0x55: {  	_ =	shalt  }
0x56: {  	_ =	shalt  }
0x57: {  	_ =	shalt  }
0x58: {  	_ =	shalt  }
0x59: {  	_ =	shalt  }
0x5a: {  	_ =	shalt  }
0x5b: {  	_ =	shalt  }
0x5c: {  	_ =	shalt  }
0x5d: {  	_ =	shalt  }
0x5e: {  	_ =	shalt  }
0x5f: {  	_ =	shalt  }
0x60: {  	_ =	shalt  }
0x61: {  	_ =	shalt  }
0x62: {  	_ =	shalt  }
0x63: {  	_ =	shalt  }
0x64: {  	_ =	shalt  }
0x65: {  	_ =	shalt  }
0x66: {  	_ =	shalt  }
0x67: {  	_ =	shalt  }
0x68: {  	_ =	shalt  }
0x69: {  	_ =	shalt  }
0x6a: {  	_ =	shalt  }
0x6b: {  	_ =	shalt  }
0x6c: {  	_ =	shalt  }
0x6d: {  	_ =	shalt  }
0x6e: {  	_ =	shalt  }
0x6f: {  	_ =	shalt  }
0x70: {  	_ =	shalt  }
0x71: {  	_ =	shalt  }
0x72: {  	_ =	shalt  }
0x73: {  	_ =	shalt  }
0x74: {  	_ =	shalt  }
0x75: {  	_ =	shalt  }
0x76: {  	_ =	shalt  }
0x77: {  	_ =	shalt  }
0x78: {  	_ =	shalt  }
0x79: {  	_ =	shalt  }
0x7a: {  	_ =	shalt  }
0x7b: {  	_ =	shalt  }
0x7c: {  	_ =	shalt  }
0x7d: {  	_ =	shalt  }
0x7e: {  	_ =	shalt  }
0x7f: {  	_ =	shalt  }
0x80: {  	_ =	shalt  }
0x81: {  	_ =	shalt  }
0x82: {  	_ =	shalt  }
0x83: {  	_ =	shalt  }
0x84: {  	_ =	shalt  }
0x85: {  	_ =	shalt  }
0x86: {  	_ =	shalt  }
0x87: {  	_ =	shalt  }
.Lfunc_end0:
.L_simem_size_0:
called_computation_lowered:
.L_overlay_start_0:
0x88: {  	s2 =	sld [smem:$0x3FD9]  }
0x89: {  	s3 =	sld [smem:$0x3FFE];
	_ =	sdelay $0x1  }
0x8a: {  	s1 =	srdreg.scid  }
0x8b: {  	s0 =	sand.u32 $0x1, s1  }
0x8c: {  	s17 =	sshll.u32 s0, $0xA;
	s2 =	sadd.s32 s3, s2  }
0x8d: {  	s2 =	sadd.s32 s2, s17  }
0x8e: {  	[smem:$0x3FBA] =	sst s2  }
0x8f: {  	_ = 	snop  }
0x90: {  	s2 =	sld [smem:$0x3FD0];
	(tm) =	ssettm $0x1  }
0x91: {  	s18 =	sld [smem:$0x3FFB];
	_ =	sdelay $0x3  }
0x92: {  	_ =	strace s18  }
0x93: {  	s3 =	sld [smem:$0x3FFC];
	_ =	sdelay $0x3  }
0x94: {  	_ =	strace s3  }
0x95: {  	s3 =	sld [smem:$0x3FFD];
	_ =	sdelay $0x3  }
0x96: {  	_ =	strace s3  }
0x97: {  	_ =	strace $0x8FFFFFFF  }
0x98: {  	s19 =	sld [smem:$0x3FDB];
	_ =	sdelay $0x1  }
0x99: {  	s4 =	simm.s32 $_scs_section_size  }
0x9a: {  	s5 =	simm.s32 $_size__tile_overlayer_lowered;
	s6 =	simm.s32 $_tile_overlayer_lowered  }
0x9b: {  	s22 =	simm.s32 $0x1BFF;
	s21 =	sshll.u32 s6, $0x1;
	s3 =	sadd.s32 s4, s19  }
0x9c: {  	s7 =	simm.s32 $0x0;
	s20 =	sshll.u32 s5, $0x1;
	s5 =	sadd.s32 s21, s3  }
0x9d: {  	[timem:s7], [sflag:s22] =	dma.local [hbm:s5], s20  }
0x9e: {  	_ =	swait.ge [sflag:s22], s20  }
0x9f: {  	s4 =	ssub.s32 $0x0, s20;
	[sflag:s22] =	ssyncset.done $0x0  }
0xa0: {  	[sflag:s22] =	ssyncadd.s32 s4;
	_ =	sdelay $0x1  }
0xa1: {  	s23 =	simm.s32 $0x1B8B  }
0xa2: {  	_ =	swait.ge [sflag:s23], $0x1  }
0xa3: {  	[sflag:s23] =	ssyncset.done $0x0  }
0xa4: {  	s25 =	simm.s32 $0x1B8E;
	s24 =	sld [smem:$0x3FFE];
	[sflag:s23] =	ssyncadd.s32 $0xFFFFFFFF  }
0xa5: {  	s26 =	simm.s32 $execute0_lowered;
	[smem:$0x3FD2] =	sst s25  }
0xa6: {  	s5 =	sshll.u32 s26, $0x1;
	_ =	strace $0x80000046;
	[dreg:$0x1] =	wrdreg $0xFFFFFFFF  }
0xa7: {  	s28 =	simm.s32 $_size_execute0_lowered;
	s3 =	sadd.s32 s3, s5;
	[dreg:$0x0] =	wrdreg $0x0  }
0xa8: {  	s5 =	sshll.u32 s28, $0x1;
	[dreg:$0x2] =	wrdreg s3  }
0xa9: {  	[dreg:$0x3] =	wrdreg s5  }
0xaa: {  	[dreg:$0x4] =	wrdreg $0xC0  }
0xab: {  	_ =	task [dreg:s7], $0x5FFFF  }
0xac: {  	[dreg:$0x1] =	wrdreg $0xFFFFFFFF  }
0xad: {  	[dreg:$0x0] =	wrdreg $0x60  }
0xae: {  	[dreg:$0x2] =	wrdreg s2  }
0xaf: {  	[dreg:$0x3] =	wrdreg s24  }
0xb0: {  	[dreg:$0x4] =	wrdreg $0x9  }
0xb1: {  	_ =	task.clear_ibuf [dreg:s7], $0x5FFFF;
	_ =	strace $0x90000046  }
0xb2: {  	s29 =	simm.s32 $0x9;
	_ =	strace $0x80000048  }
0xb3: {  	_ =	swait.ge [sflag:s29], $0x1  }
0xb4: {  	[sflag:s29] =	ssyncadd.s32 $0xFFFFFFFF  }
0xb5: {  	_ =	strace $0x90000048  }
0xb6: {  	_ =	sfence  }
0xb7: {  	s30 =	sld [smem:$0x0];
	_ =	sdelay $0x2  }
0xb8: {  	s31 =	sshll.u32 s1, $0xD;
	s1 =	sshrl.u32 s1, $0x2  }
0xb9: {  	s3 =	sand.u32 $0x4000, s31;
	s1 =	sadd.s32 s1, s30  }
0xba: {  	s0 =	sor.u32 s3, s0;
	s1 =	sshll.u32 s1, $0x11  }
0xbb: {  	s0 =	sor.u32 s1, s0  }
0xbc: {  	s0 =	sadd.s32 $0x8F2B, s0  }
0xbd: {  	[sflag:s0] =	ssyncadd.remote.s32 $0x1  }
0xbe: {  	_ =	sfence.sel $0xFFFF  }
0xbf: {  	[dreg:$0x0] =	wrdreg $0xFFFFFFFF;
	(pc) =	sbr.abs _section_cstart, $3  }
0xc0: {  	[dreg:$0x1] =	wrdreg $0xFFFFFFFF  }
0xc1: {  	_ =	task.clear_ibuf [dreg:s7], $0x2FFFF;
	_ =	strace $0x9FFFFFFF  }
0xc2: {  	(tm) =	ssettm $0x7FFFFFFF  }
0xc3: {  	_ =	shalt  }
tec
execute0_lowered:
.L_overlay_start_1:
0x0: {  	(tag) =	ssettag $0x1  }
0x1: {  	s1 =	rddreg [dreg:$0x0]  }
0x2: {  	s12 =	rddreg [dreg:$0x1];
	s2 =	simm.s32 $0x0  }
0x3: {  	s6 =	srdreg.scid;
	s17 =	simm.s32 $0xA100;
	s18 =	simm.s32 $0xC900  }
0x4: {  	s19 =	simm.s32 $0x80;
	s20 =	simm.s32 $0x50;
	s21 =	simm.s32 $0x100  }
0x5: {  	s22 =	simm.s32 $0x2900;
	s23 =	simm.s32 $0x5100;
	s24 =	simm.s32 $0x1  }
0x6: {  	s25 =	simm.s32 $0x2;
	s26 =	simm.s32 $0x0;
	[smem:$0x7FF] =	sst s2  }
0x7: {  	s3 =	sadd.s32 $0x18A00, s12;
	s4 =	sadd.s32 $0x3C00, s12;
	s5 =	sadd.s32 $0xDA00, s12  }
0x8: {  	s7 =	sadd.s32 $0x18400, s12;
	s8 =	sadd.s32 $0x17E00, s12;
	s13 =	sand.u32 $0x1, s6  }
0x9: {  	s9 =	sadd.s32 $0x17800, s12;
	s6 =	stileid.u32;
	s10 =	sadd.s32 $0x3FC00, s12  }
0xa: {  	s11 =	sadd.s32 $0x521C00, s12;
	s12 =	sadd.s32 $0xA03C00, s12;
	s14 =	ssub.s32 $0x2, s13  }
0xb: {  	_ =	strace $0x80000047;
	s16 =	sshll.u32 s6, $0x1;
	s15 =	sshrl.u32 s14, $0x1  }
0xc: {  	s13 =	sor.u32 s13, s16;
	s16 =	simm.s32 $0x3;
	s14 =	ssub.s32 s14, s15  }
0xd: {  	v0 =	vlaneseq.u32;
	s13 =	smul.u32 $0x2710, s13;
	s15 =	simm.s32 $0x7900;
	s14 =	smax.u32 s14, $0x1  }
.LBB2_1:
0xe: {  	[tilespmem:s15], [sflag:$0x3] =	stream.linear.gather [hbm4b:s7+s2], $0x2800, $0x38;
	[tilespmem:$0xF100] =	vst v63  }
0xf: {  	_ =	swait.ge [sflag:s16], $0x2800  }
0x10: {  	[sflag:s16] =	ssyncset.done $0x0  }
0x11: {  	[sflag:s16] =	ssyncadd.s32 $0xFFFFD800  }
0x12: {  	[tilespmem:s17], [sflag:$0x3] =	stream.linear.gather [hbm4b:s8+s2], $0x2800, $0x38;
	[tilespmem:$0xF100] =	vst v63  }
0x13: {  	_ =	swait.ge [sflag:s16], $0x2800  }
0x14: {  	[sflag:s16] =	ssyncset.done $0x0  }
0x15: {  	[sflag:s16] =	ssyncadd.s32 $0xFFFFD800  }
0x16: {  	[tilespmem:s18], [sflag:$0x3] =	stream.linear.gather [hbm4b:s9+s2], $0x2800, $0x38;
	[tilespmem:$0xF100] =	vst v63  }
0x17: {  	_ =	swait.ge [sflag:s16], $0x2800  }
0x18: {  	[sflag:s16] =	ssyncset.done $0x0  }
0x19: {  	s28 =	simm.s32 $0x0;
	[sflag:s16] =	ssyncadd.s32 $0xFFFFD800  }
.LBB2_2:
0x1a: {  	s29 =	smul.u32 $0x50, s28;
	_ =	sdelay $0x1  }
0x1b: {  	s29 =	sadd.s32 s13, s29  }
0x1c: {  	s30 =	sshrl.u32 s29, $0x3  }
0x1d: {  	s0 =	simm.s32 $0x0;
	s31 =	sadd.s32 s4, s30  }
0x1e: {  	[tilespmem:s0], [sflag:$0x3] =	stream.linear.gather [hbm4b:s31+s0], $0x50, $0x38;
	[tilespmem:$0xF100] =	vst v63  }
0x1f: {  	_ =	swait.ge [sflag:s16], $0x50  }
0x20: {  	[sflag:s16] =	ssyncset.done $0x0  }
0x21: {  	s30 =	sadd.s32 s5, s30;
	[sflag:s16] =	ssyncadd.s32 $0xFFFFFFB0  }
0x22: {  	[tilespmem:s19], [sflag:$0x3] =	stream.linear.gather [hbm4b:s30+s0], $0x50, $0x38;
	[tilespmem:$0xF100] =	vst v63  }
0x23: {  	_ =	swait.ge [sflag:s16], $0x50  }
0x24: {  	v1 =	vor.u32 s0, v0;
	[sflag:s16] =	ssyncset.done $0x0  }
0x25: {  	[sflag:s16] =	ssyncadd.s32 $0xFFFFFFB0  }
0x26: {  	[tilespmem:s21], [sflag:$0x1] =	stream.indirect.gather [hbm4b:s1+s20], $0x80, s0, s20, $0xb8;
	[tilespmem:$0xF100] =	vst v63  }
0x27: {  	_ = 	snop  }
0x28: {  	[tilespmem:s22], [sflag:$0x2] =	stream.indirect.gather [hbm4b:s3+s20], $0x80, s19, s20, $0xb8;
	[tilespmem:$0xF100] =	vst v63  }
0x29: {  	v2 =	vld.idx.msk [tilespmem:v1+s2+$0x0], $0xffff;
	_ =	sdelay $0x1  }
0x2a: {  	v3 =	vld.idx.msk [tilespmem:v1+s19+$0x0], $0xffff;
	_ =	sdelay $0x5  }
0x2b: {  	v4 =	vld.idx.msk [tilespmem:v2+s15+$0x0], $0xffff  }
0x2c: {  	v5 =	vld.idx.msk [tilespmem:v2+s17+$0x0], $0xffff  }
0x2d: {  	v6 =	vld.idx.msk [tilespmem:v3+s15+$0x0], $0xffff  }
0x2e: {  	v7 =	vld.idx.msk [tilespmem:v3+s17+$0x0], $0xffff  }
0x2f: {  	v2 =	vld.idx.msk [tilespmem:v2+s18+$0x0], $0xffff  }
0x30: {  	v3 =	vld.idx.msk [tilespmem:v3+s18+$0x0], $0xffff;
	_ =	sdelay $0x2  }
0x31: {  	v4 =	vsub.f32 v4, v6;
	v5 =	vsub.f32 v5, v7;
	_ =	sdelay $0x1  }
0x32: {  	v2 =	vsub.f32 v2, v3;
	v3 =	vmul.f32 v4, v4;
	v4 =	vmul.f32 v5, v5;
	_ =	sdelay $0x1  }
0x33: {  	s31 =	simm.s32 $0x10;
	v3 =	vadd.f32 v4, v3;
	v4 =	vmul.f32 v2, v2;
	v2 =	vshll.u32 v1, $0x7  }
0x34: {  	v1 =	vor.u32 s31, v0;
	_ =	sdelay $0x1  }
0x35: {  	v3 =	vadd.f32 v4, v3  }
0x36: {  	s30 =	simm.s32 $0x20  }
.LBB2_3:
0x37: {  	p0 =	sne.s32 s30, $0x40;
	[tilespmem:v2+s23+$0x0] =	vst.idx.msk $0xffff, v3  }
0x38: {  	v2 =	vld.idx.msk [tilespmem:v1+s2+$0x0], $0xffff;
	_ =	sdelay $0x1  }
0x39: {  	v3 =	vld.idx.msk [tilespmem:v1+s19+$0x0], $0xffff;
	_ =	sdelay $0x5  }
0x3a: {  	v4 =	vld.idx.msk [tilespmem:v2+s15+$0x0], $0xffff  }
0x3b: {  	v5 =	vld.idx.msk [tilespmem:v2+s17+$0x0], $0xffff  }
0x3c: {  	v6 =	vld.idx.msk [tilespmem:v3+s15+$0x0], $0xffff  }
0x3d: {  	v7 =	vld.idx.msk [tilespmem:v3+s17+$0x0], $0xffff  }
0x3e: {  	v2 =	vld.idx.msk [tilespmem:v2+s18+$0x0], $0xffff  }
0x3f: {  	v3 =	vld.idx.msk [tilespmem:v3+s18+$0x0], $0xffff;
	_ =	sdelay $0x3  }
0x40: {  	v4 =	vsub.f32 v4, v6;
	v5 =	vsub.f32 v5, v7;
	_ =	sdelay $0x1  }
0x41: {  	v4 =	vmul.f32 v4, v4;
	v3 =	vsub.f32 v2, v3;
	v5 =	vmul.f32 v5, v5  }
.Ltmp0:
0x42: {  	v2 =	vshll.u32 v1, $0x7;
	(pc) =	sbr.rel @p0 .LBB2_3-.Ltmp0, $3  }
0x43: {  	v1 =	vor.u32 s30, v0;
	v4 =	vadd.f32 v5, v4;
	v3 =	vmul.f32 v3, v3;
	_ =	sdelay $0x1  }
0x44: {  	v3 =	vadd.f32 v3, v4  }
0x45: {  	s30 =	sadd.s32 $0x10, s30  }
0x46: {  	_ =	sdelay $0x3  }
0x47: {  	[tilespmem:v2+s23+$0x0] =	vst.idx.msk $0xffff, v3  }
0x48: {  	v2 =	vld.idx.msk [tilespmem:v1+s2+$0x0], $0xffff;
	_ =	sdelay $0x1  }
0x49: {  	v3 =	vld.idx.msk [tilespmem:v1+s19+$0x0], $0xffff;
	_ =	sdelay $0x5  }
0x4a: {  	v4 =	vld.idx.msk [tilespmem:v2+s15+$0x0], $0xffff  }
0x4b: {  	v5 =	vld.idx.msk [tilespmem:v2+s17+$0x0], $0xffff  }
0x4c: {  	v6 =	vld.idx.msk [tilespmem:v3+s15+$0x0], $0xffff  }
0x4d: {  	v7 =	vld.idx.msk [tilespmem:v3+s17+$0x0], $0xffff  }
0x4e: {  	v2 =	vld.idx.msk [tilespmem:v2+s18+$0x0], $0xffff  }
0x4f: {  	v3 =	vld.idx.msk [tilespmem:v3+s18+$0x0], $0xffff;
	_ =	sdelay $0x2  }
0x50: {  	v4 =	vsub.f32 v4, v6;
	v5 =	vsub.f32 v5, v7;
	_ =	sdelay $0x1  }
0x51: {  	v2 =	vsub.f32 v2, v3;
	v3 =	vmul.f32 v4, v4;
	v63 =	vmul.f32 v5, v5  }
0x52: {  	v1 =	vshll.u32 v1, $0x7  }
0x53: {  	v2 =	vmul.f32 v2, v2;
	v3 =	vadd.f32 v63, v3;
	_ =	sdelay $0x1  }
0x54: {  	v2 =	vadd.f32 v2, v3;
	_ =	sdelay $0x1  }
0x55: {  	[tilespmem:v1+s23+$0x0] =	vst.idx.msk $0xffff, v2  }
0x56: {  	_ =	swait.ge [sflag:s24], $0x2800  }
0x57: {  	[sflag:s24] =	ssyncset.done $0x0  }
0x58: {  	[sflag:s24] =	ssyncadd.s32 $0xFFFFD800  }
0x59: {  	_ =	swait.ge [sflag:s25], $0x2800  }
0x5a: {  	s0 =	sshll.u32 s29, $0x4;
	[sflag:s25] =	ssyncset.done $0x0  }
0x5b: {  	s29 =	sadd.s32 s10, s0;
	[sflag:s25] =	ssyncadd.s32 $0xFFFFD800  }
0x5c: {  	[hbm4b:s29+s2] =	stream.linear.scatter [tilespmem:s21], [sflag:$0x3], $0x2800, $0x38;
	[tilespmem:$0xF100] =	vst v63  }
0x5d: {  	_ =	swait.ge [sflag:s16], $0x2800  }
0x5e: {  	[sflag:s16] =	ssyncset.done $0x0  }
0x5f: {  	s31 =	sadd.s32 s11, s0;
	[sflag:s16] =	ssyncadd.s32 $0xFFFFD800  }
0x60: {  	[hbm4b:s31+s2] =	stream.linear.scatter [tilespmem:s22], [sflag:$0x3], $0x2800, $0x38;
	[tilespmem:$0xF100] =	vst v63  }
0x61: {  	s28 =	sadd.s32 $0x1, s28;
	_ =	swait.ge [sflag:s16], $0x2800  }
0x62: {  	p0 =	sne.s32 s28, $0x7D;
	[sflag:s16] =	ssyncset.done $0x0  }
.Ltmp1:
0x63: {  	s0 =	sadd.s32 s12, s0;
	[sflag:s16] =	ssyncadd.s32 $0xFFFFD800;
	(pc) =	sbr.rel @p0 .LBB2_2-.Ltmp1, $4  }
0x64: {  	[hbm4b:s0+s2] =	stream.linear.scatter [tilespmem:s23], [sflag:$0x3], $0x2800, $0x38;
	[tilespmem:$0xF100] =	vst v63  }
0x65: {  	_ =	swait.ge [sflag:s16], $0x2800  }
0x66: {  	[sflag:s16] =	ssyncset.done $0x0  }
0x67: {  	[sflag:s16] =	ssyncadd.s32 $0xFFFFD800  }
0x68: {  	s26 =	sadd.s32 $0x1, s26  }
0x69: {  	p0 =	sne.s32 s26, s14  }
.Ltmp2:
0x6a: {  	_ = 	snop;
	(pc) =	sbr.rel @p0 .LBB2_1-.Ltmp2, $1  }
0x6b: {  	_ =	sdelay $0x3  }
0x6c: {  	_ =	sfence.sel $0x180000  }
0x6d: {  	[bflag:$0x0] =	sbarrier.arrive $0xFFFF  }
0x6e: {  	_ =	strace $0x90000047  }
0x6f: {  	[bflag:$0x2] =	sbarrier.arrive $0xFFFF  }
0x70: {  	p0 =	sne.s32 s6, $0x0;
	s0 =	rddreg [dreg:$0x2]  }
0x71: {  	s0 =	sadd.s32 @!p0 $0x100000, s0  }
0x72: {  	[sflag:s0] =	ssyncadd.tile.s32 @!p0 $0x1;
	_ =	shalt  }
.Lfunc_end2:
_tile_overlayer_lowered:
.L_overlay_start_2:
0x73: {  	(tag) =	ssettag $0x2  }
0x74: {  	s0 =	rddreg [dreg:$0x0];
	s2 =	stileid.u32  }
0x75: {  	s1 =	rddreg [dreg:$0x1];
	p0 =	sne.s32 s2, $0x0  }
0x76: {  	s3 =	rddreg [dreg:$0x2];
	[bflag:$0x3] =	sbarrier.arrive $0xFFFF;
	s2 =	simm.s32 @!p0 $0x1C03  }
0x77: {  	[timem:s3], [sflag:s2] =	dma.local @!p0 [hbm:s0], s1  }
0x78: {  	s0 =	simm.s32 @!p0 $0x3  }
0x79: {  	_ =	swait.ge @!p0 [sflag:s0], s1  }
0x7a: {  	s1 =	ssub.s32 @!p0 $0x0, s1;
	[sflag:s0] =	ssyncset.done @!p0 $0x0  }
0x7b: {  	[sflag:s0] =	ssyncadd.s32 @!p0 s1  }
0x7c: {  	[bflag:$0x3] =	sbarrier.arrive $0xFFFF  }
0x7d: {  	_ =	shalt  }

</sc_bundles>
